<compile_context>
chip_gen: v7x
topology: tpu7x:2x2x1
jax: 0.10.2.dev20260603
libtpu: 0.0.44.dev20260713+nightly
codegen_flags: <defaults>
</compile_context>

<pallas_src>
import jax
import jax.numpy as jnp
from jax import lax
from jax.experimental import pallas as pl
from jax.experimental.pallas import tpu as pltpu

_LANES = 128
_BR = 512
_SUB = 8


def _pass_body(cv_ref, x_ref, y_ref, stat_ref, accd_ref, accv_ref, acci_ref):
    i = pl.program_id(0)
    n = pl.num_programs(0)

    shp = (_SUB, _LANES)
    lane = lax.broadcasted_iota(jnp.int32, shp, 1)
    sub = lax.broadcasted_iota(jnp.int32, shp, 0)
    odd = (lane & 1) == 1
    cvb = jnp.where(odd, cv_ref[1], cv_ref[0])
    idx0 = (sub << 6) | (lane >> 1)

    pos = jnp.float32(jnp.inf)
    neg = jnp.float32(-jnp.inf)

    @pl.when(i == 0)
    def _init():
        accd_ref[...] = jnp.full(shp, pos)
        accv_ref[...] = jnp.full(shp, neg)
        acci_ref[...] = jnp.zeros(shp, jnp.int32)

    accd = accd_ref[...]
    accv = accv_ref[...]
    acci = acci_ref[...]

    base = i * (_BR * 64)
    for j in range(_BR // _SUB):
        x = x_ref[j * _SUB:(j + 1) * _SUB, :]
        y_ref[j * _SUB:(j + 1) * _SUB, :] = x
        d = x - cvb
        pm = jnp.maximum(d, pltpu.roll(d, _LANES - 1, 1))
        accd = jnp.minimum(accd, pm)
        gt = x > accv
        accv = jnp.where(gt, x, accv)
        acci = jnp.where(gt, idx0 + (base + j * _SUB * 64), acci)

    accd_ref[...] = accd
    accv_ref[...] = accv
    acci_ref[...] = acci

    @pl.when(i == n - 1)
    def _fin():
        big = jnp.int32(2147483647)
        dmin = jnp.min(jnp.where(odd, pos, accd))
        stat_ref[0] = jnp.where(dmin <= 0.0, jnp.int32(1), jnp.int32(0))
        v0 = jnp.where(odd, neg, accv)
        v1 = jnp.where(odd, accv, neg)
        m0 = jnp.max(v0)
        m1 = jnp.max(v1)
        i0 = jnp.min(jnp.where(v0 == m0, acci, big))
        i1 = jnp.min(jnp.where(v1 == m1, acci, big))
        stat_ref[1] = jnp.maximum(i0, i1)


def _scatter_body(s_ref, x_ref, cv_ref, y_ref):
    u = s_ref[0]
    aug = s_ref[1]
    x = x_ref[...]
    lane = lax.broadcasted_iota(jnp.int32, x.shape, 1)
    sub = lax.broadcasted_iota(jnp.int32, x.shape, 0)
    rs = (u // 64) % 8
    lp = (u % 64) * 2
    sel = (sub == rs) & ((lane == lp) | (lane == lp + 1)) & (aug != 0)
    val = jnp.where(lane == lp, cv_ref[0], cv_ref[1])
    y_ref[...] = jnp.where(sel, val, x)


def kernel(filter_by, current_values, augment):
    f, c = filter_by.shape
    r = (f * c) // _LANES
    x = filter_by.reshape(r, _LANES)

    y, stats = pl.pallas_call(
        _pass_body,
        grid=(r // _BR,),
        in_specs=[
            pl.BlockSpec(memory_space=pltpu.SMEM),
            pl.BlockSpec((_BR, _LANES), lambda i: (i, 0)),
        ],
        out_specs=[
            pl.BlockSpec((_BR, _LANES), lambda i: (i, 0)),
            pl.BlockSpec(memory_space=pltpu.SMEM),
        ],
        out_shape=[
            jax.ShapeDtypeStruct((r, _LANES), jnp.float32),
            jax.ShapeDtypeStruct((2,), jnp.int32),
        ],
        scratch_shapes=[
            pltpu.VMEM((_SUB, _LANES), jnp.float32),
            pltpu.VMEM((_SUB, _LANES), jnp.float32),
            pltpu.VMEM((_SUB, _LANES), jnp.int32),
        ],
    )(current_values, x)

    scal = jnp.stack([stats[1], augment.astype(jnp.int32)])
    y2 = pl.pallas_call(
        _scatter_body,
        grid_spec=pltpu.PrefetchScalarGridSpec(
            num_scalar_prefetch=1,
            grid=(1,),
            in_specs=[
                pl.BlockSpec((8, _LANES), lambda i, s: (s[0] // 512, 0)),
                pl.BlockSpec(memory_space=pltpu.SMEM),
            ],
            out_specs=pl.BlockSpec((8, _LANES), lambda i, s: (s[0] // 512, 0)),
        ),
        out_shape=jax.ShapeDtypeStruct((r, _LANES), jnp.float32),
        input_output_aliases={1: 0},
    )(scal, y, current_values)

    return stats[0] == 0, y2.reshape(f, c)

# --- scband reference (transcript-rebuilt; emitter-appended) ---
"""Pipeline reference for scband-filter-61735859912869 (READ-ONLY COPY).

The authoritative reference and input builder live on the scoring server;
editing this copy changes nothing except your own understanding.
"""

import jax, jax.numpy as jnp
import numpy as np

F = 4194304
C = 2


def setup_inputs(seed: int = 0) -> dict:
    key = jax.random.key(seed)
    k1, k2 = jax.random.split(key)
    filter_by = jax.random.normal(k1, (F, C), dtype=jnp.float32)
    current_values = jax.random.normal(k2, (C,), dtype=jnp.float32)
    augment = jnp.ones((), dtype=bool)
    return {"filter_by": filter_by, "current_values": current_values, "augment": augment}


def reference(filter_by, current_values, augment):
    # compare current values against every row of the filter buffer
    compare = jnp.all(current_values[None, :] >= filter_by, axis=1)
    filter_out = jnp.any(compare, axis=0)
    # index of row to overwrite
    update_at = jnp.max(jnp.argmax(filter_by, axis=0))
    # scatter-overwrite a single row
    updated = filter_by.at[update_at].set(current_values)
    new_filter = jnp.where(augment, updated, filter_by)
    return (jnp.invert(filter_out), new_filter)

if __name__ == "__main__":
    import jax
    _d = setup_inputs()
    print(jax.jit(kernel)(*tuple(_d.values())))

</pallas_src>

<mosaic_0001>
module attributes {stable_mosaic.version = 14 : i64} {
  func.func @_pass_body(%arg0: i32, %arg1: memref<2xf32, #tpu.memory_space<smem>>, %arg2: memref<512x128xf32, #tpu.memory_space<vmem>>, %arg3: memref<512x128xf32, #tpu.memory_space<vmem>>, %arg4: memref<2xi32, #tpu.memory_space<smem>>, %arg5: memref<8x128xf32, #tpu.memory_space<vmem>>, %arg6: memref<8x128xf32, #tpu.memory_space<vmem>>, %arg7: memref<8x128xi32, #tpu.memory_space<vmem>>) attributes {dimension_semantics = [#tpu.dimension_semantics<arbitrary>], iteration_bounds = array<i64: 128>, scalar_prefetch = 0 : i64, scratch_operands = 3 : i64, tpu.core_type = #tpu.core_type<tc>, window_params = [{transform_indices = @transform_0, window_bounds = array<i64: 2>}, {transform_indices = @transform_1, window_bounds = array<i64: 512, 128>}, {transform_indices = @transform_2, window_bounds = array<i64: 512, 128>}, {transform_indices = @transform_3, window_bounds = array<i64: 2>}]} {
    %iota3A = tpu.iota {dimensions = array<i32: 1>} : vector<8x128xi32>
    %iota3A_0 = tpu.iota {dimensions = array<i32: 0>} : vector<8x128xi32>
    %and3A = arith.constant 1 : i32
    %and3A_1 = vector.broadcast %and3A : i32 to vector<8x128xi32>
    %and3A_2 = arith.andi %iota3A, %and3A_1 : vector<8x128xi32>
    %eq3A = arith.constant 1 : i32
    %eq3A_3 = vector.broadcast %eq3A : i32 to vector<8x128xi32>
    %eq3A_4 = arith.cmpi eq, %and3A_2, %eq3A_3 : vector<8x128xi32>
    %get3A = arith.constant 1 : index
    %get3A_5 = memref.load %arg1[%get3A] : memref<2xf32, #tpu.memory_space<smem>>
    %get3A_6 = arith.constant 0 : index
    %get3A_7 = memref.load %arg1[%get3A_6] : memref<2xf32, #tpu.memory_space<smem>>
    %broadcast_in_dim3A = vector.broadcast %get3A_5 : f32 to vector<8x128xf32>
    %broadcast_in_dim3A_8 = vector.broadcast %get3A_7 : f32 to vector<8x128xf32>
    %select_n3A = arith.select %eq3A_4, %broadcast_in_dim3A, %broadcast_in_dim3A_8 : vector<8x128xi1>, vector<8x128xf32>
    %shift_left3A = arith.constant 6 : i32
    %shift_left3A_9 = vector.broadcast %shift_left3A : i32 to vector<8x128xi32>
    %shift_left3A_10 = arith.shli %iota3A_0, %shift_left3A_9 : vector<8x128xi32>
    %shift_right_arithmetic3A = arith.constant 1 : i32
    %shift_right_arithmetic3A_11 = vector.broadcast %shift_right_arithmetic3A : i32 to vector<8x128xi32>
    %shift_right_arithmetic3A_12 = arith.shrsi %iota3A, %shift_right_arithmetic3A_11 : vector<8x128xi32>
    %or3A = arith.ori %shift_left3A_10, %shift_right_arithmetic3A_12 : vector<8x128xi32>
    %eq3A_13 = arith.constant 0 : i32
    %eq3A_14 = arith.cmpi eq, %arg0, %eq3A_13 : i32
    %convert_element_type3A = arith.extui %eq3A_14 : i1 to i32
    %cond3A = arith.constant 0x7F800000 : f32
    %cond3A_15 = arith.constant 0xFF800000 : f32
    %cond3A_16 = arith.constant 0 : i32
    %cond3A_17 = arith.cmpi ne, %convert_element_type3A, %cond3A_16 : i32
    scf.if %cond3A_17 {
      %broadcast_in_dim3A_1189 = vector.broadcast %cond3A : f32 to vector<8x128xf32>
      %swap3A_1190 = arith.constant 0 : index
      %swap3A_1191 = arith.constant 0 : index
      %swap3A_1192 = vector.load %arg5[%swap3A_1190, %swap3A_1191] : memref<8x128xf32, #tpu.memory_space<vmem>>, vector<8x128xf32>
      tpu.vector_store %arg5[%swap3A_1190, %swap3A_1191], %broadcast_in_dim3A_1189 {strides = array<i32>} : memref<8x128xf32, #tpu.memory_space<vmem>>, vector<8x128xf32>,
      %broadcast_in_dim3A_1193 = vector.broadcast %cond3A_15 : f32 to vector<8x128xf32>
      %swap3A_1194 = arith.constant 0 : index
      %swap3A_1195 = arith.constant 0 : index
      %swap3A_1196 = vector.load %arg6[%swap3A_1194, %swap3A_1195] : memref<8x128xf32, #tpu.memory_space<vmem>>, vector<8x128xf32>
      tpu.vector_store %arg6[%swap3A_1194, %swap3A_1195], %broadcast_in_dim3A_1193 {strides = array<i32>} : memref<8x128xf32, #tpu.memory_space<vmem>>, vector<8x128xf32>,
      %broadcast_in_dim3A_1197 = arith.constant 0 : i32
      %broadcast_in_dim3A_1198 = vector.broadcast %broadcast_in_dim3A_1197 : i32 to vector<8x128xi32>
      %swap3A_1199 = arith.constant 0 : index
      %swap3A_1200 = arith.constant 0 : index
      %swap3A_1201 = vector.load %arg7[%swap3A_1199, %swap3A_1200] : memref<8x128xi32, #tpu.memory_space<vmem>>, vector<8x128xi32>
      tpu.vector_store %arg7[%swap3A_1199, %swap3A_1200], %broadcast_in_dim3A_1198 {strides = array<i32>} : memref<8x128xi32, #tpu.memory_space<vmem>>, vector<8x128xi32>,
    } else {
    }
    %get3A_18 = arith.constant 0 : index
    %get3A_19 = arith.constant 0 : index
    %get3A_20 = vector.load %arg5[%get3A_18, %get3A_19] : memref<8x128xf32, #tpu.memory_space<vmem>>, vector<8x128xf32>
    %get3A_21 = arith.constant 0 : index
    %get3A_22 = arith.constant 0 : index
    %get3A_23 = vector.load %arg6[%get3A_21, %get3A_22] : memref<8x128xf32, #tpu.memory_space<vmem>>, vector<8x128xf32>
    %get3A_24 = arith.constant 0 : index
    %get3A_25 = arith.constant 0 : index
    %get3A_26 = vector.load %arg7[%get3A_24, %get3A_25] : memref<8x128xi32, #tpu.memory_space<vmem>>, vector<8x128xi32>
    %mul3A = arith.constant 32768 : i32
    %mul3A_27 = arith.muli %arg0, %mul3A : i32
    %get3A_28 = arith.constant 0 : index
    %get3A_29 = arith.constant 0 : index
    %get3A_30 = vector.load %arg2[%get3A_28, %get3A_29] : memref<512x128xf32, #tpu.memory_space<vmem>>, vector<8x128xf32>
    %swap3A = arith.constant 0 : index
    %swap3A_31 = arith.constant 0 : index
    %swap3A_32 = vector.load %arg3[%swap3A, %swap3A_31] : memref<512x128xf32, #tpu.memory_space<vmem>>, vector<8x128xf32>
    tpu.vector_store %arg3[%swap3A, %swap3A_31], %get3A_30 {strides = array<i32>} : memref<512x128xf32, #tpu.memory_space<vmem>>, vector<8x128xf32>,
    %sub3A = arith.subf %get3A_30, %select_n3A : vector<8x128xf32>
    %roll3A = arith.constant 127 : i32
    %roll3A_33 = tpu.dynamic_rotate %sub3A by %roll3A dim 1 : vector<8x128xf32>, i32 -> vector<8x128xf32>
    %max3A = arith.maximumf %sub3A, %roll3A_33 : vector<8x128xf32>
    %min3A = arith.minimumf %get3A_20, %max3A : vector<8x128xf32>
    %gt3A = arith.cmpf ogt, %get3A_30, %get3A_23 : vector<8x128xf32>
    %select_n3A_34 = arith.select %gt3A, %get3A_30, %get3A_23 : vector<8x128xi1>, vector<8x128xf32>
    %add3A = arith.constant 0 : i32
    %add3A_35 = arith.addi %mul3A_27, %add3A : i32
    %add3A_36 = vector.broadcast %add3A_35 : i32 to vector<8x128xi32>
    %add3A_37 = arith.addi %or3A, %add3A_36 : vector<8x128xi32>
    %select_n3A_38 = arith.select %gt3A, %add3A_37, %get3A_26 : vector<8x128xi1>, vector<8x128xi32>
    %get3A_39 = arith.constant 8 : index
    %get3A_40 = arith.constant 0 : index
    %get3A_41 = vector.load %arg2[%get3A_39, %get3A_40] : memref<512x128xf32, #tpu.memory_space<vmem>>, vector<8x128xf32>
    %swap3A_42 = arith.constant 8 : index
    %swap3A_43 = arith.constant 0 : index
    %swap3A_44 = vector.load %arg3[%swap3A_42, %swap3A_43] : memref<512x128xf32, #tpu.memory_space<vmem>>, vector<8x128xf32>
    tpu.vector_store %arg3[%swap3A_42, %swap3A_43], %get3A_41 {strides = array<i32>} : memref<512x128xf32, #tpu.memory_space<vmem>>, vector<8x128xf32>,
    %sub3A_45 = arith.subf %get3A_41, %select_n3A : vector<8x128xf32>
    %roll3A_46 = arith.constant 127 : i32
    %roll3A_47 = tpu.dynamic_rotate %sub3A_45 by %roll3A_46 dim 1 : vector<8x128xf32>, i32 -> vector<8x128xf32>
    %max3A_48 = arith.maximumf %sub3A_45, %roll3A_47 : vector<8x128xf32>
    %min3A_49 = arith.minimumf %min3A, %max3A_48 : vector<8x128xf32>
    %gt3A_50 = arith.cmpf ogt, %get3A_41, %select_n3A_34 : vector<8x128xf32>
    %select_n3A_51 = arith.select %gt3A_50, %get3A_41, %select_n3A_34 : vector<8x128xi1>, vector<8x128xf32>
    %add3A_52 = arith.constant 512 : i32
    %add3A_53 = arith.addi %mul3A_27, %add3A_52 : i32
    %add3A_54 = vector.broadcast %add3A_53 : i32 to vector<8x128xi32>
    %add3A_55 = arith.addi %or3A, %add3A_54 : vector<8x128xi32>
    %select_n3A_56 = arith.select %gt3A_50, %add3A_55, %select_n3A_38 : vector<8x128xi1>, vector<8x128xi32>
    %get3A_57 = arith.constant 16 : index
    %get3A_58 = arith.constant 0 : index
    %get3A_59 = vector.load %arg2[%get3A_57, %get3A_58] : memref<512x128xf32, #tpu.memory_space<vmem>>, vector<8x128xf32>
    %swap3A_60 = arith.constant 16 : index
    %swap3A_61 = arith.constant 0 : index
    %swap3A_62 = vector.load %arg3[%swap3A_60, %swap3A_61] : memref<512x128xf32, #tpu.memory_space<vmem>>, vector<8x128xf32>
    tpu.vector_store %arg3[%swap3A_60, %swap3A_61], %get3A_59 {strides = array<i32>} : memref<512x128xf32, #tpu.memory_space<vmem>>, vector<8x128xf32>,
    %sub3A_63 = arith.subf %get3A_59, %select_n3A : vector<8x128xf32>
    %roll3A_64 = arith.constant 127 : i32
    %roll3A_65 = tpu.dynamic_rotate %sub3A_63 by %roll3A_64 dim 1 : vector<8x128xf32>, i32 -> vector<8x128xf32>
    %max3A_66 = arith.maximumf %sub3A_63, %roll3A_65 : vector<8x128xf32>
    %min3A_67 = arith.minimumf %min3A_49, %max3A_66 : vector<8x128xf32>
    %gt3A_68 = arith.cmpf ogt, %get3A_59, %select_n3A_51 : vector<8x128xf32>
    %select_n3A_69 = arith.select %gt3A_68, %get3A_59, %select_n3A_51 : vector<8x128xi1>, vector<8x128xf32>
    %add3A_70 = arith.constant 1024 : i32
    %add3A_71 = arith.addi %mul3A_27, %add3A_70 : i32
    %add3A_72 = vector.broadcast %add3A_71 : i32 to vector<8x128xi32>
    %add3A_73 = arith.addi %or3A, %add3A_72 : vector<8x128xi32>
    %select_n3A_74 = arith.select %gt3A_68, %add3A_73, %select_n3A_56 : vector<8x128xi1>, vector<8x128xi32>
    %get3A_75 = arith.constant 24 : index
    %get3A_76 = arith.constant 0 : index
    %get3A_77 = vector.load %arg2[%get3A_75, %get3A_76] : memref<512x128xf32, #tpu.memory_space<vmem>>, vector<8x128xf32>
    %swap3A_78 = arith.constant 24 : index
    %swap3A_79 = arith.constant 0 : index
    %swap3A_80 = vector.load %arg3[%swap3A_78, %swap3A_79] : memref<512x128xf32, #tpu.memory_space<vmem>>, vector<8x128xf32>
    tpu.vector_store %arg3[%swap3A_78, %swap3A_79], %get3A_77 {strides = array<i32>} : memref<512x128xf32, #tpu.memory_space<vmem>>, vector<8x128xf32>,
    %sub3A_81 = arith.subf %get3A_77, %select_n3A : vector<8x128xf32>
    %roll3A_82 = arith.constant 127 : i32
    %roll3A_83 = tpu.dynamic_rotate %sub3A_81 by %roll3A_82 dim 1 : vector<8x128xf32>, i32 -> vector<8x128xf32>
    %max3A_84 = arith.maximumf %sub3A_81, %roll3A_83 : vector<8x128xf32>
    %min3A_85 = arith.minimumf %min3A_67, %max3A_84 : vector<8x128xf32>
    %gt3A_86 = arith.cmpf ogt, %get3A_77, %select_n3A_69 : vector<8x128xf32>
    %select_n3A_87 = arith.select %gt3A_86, %get3A_77, %select_n3A_69 : vector<8x128xi1>, vector<8x128xf32>
    %add3A_88 = arith.constant 1536 : i32
    %add3A_89 = arith.addi %mul3A_27, %add3A_88 : i32
    %add3A_90 = vector.broadcast %add3A_89 : i32 to vector<8x128xi32>
    %add3A_91 = arith.addi %or3A, %add3A_90 : vector<8x128xi32>
    %select_n3A_92 = arith.select %gt3A_86, %add3A_91, %select_n3A_74 : vector<8x128xi1>, vector<8x128xi32>
    %get3A_93 = arith.constant 32 : index
    %get3A_94 = arith.constant 0 : index
    %get3A_95 = vector.load %arg2[%get3A_93, %get3A_94] : memref<512x128xf32, #tpu.memory_space<vmem>>, vector<8x128xf32>
    %swap3A_96 = arith.constant 32 : index
    %swap3A_97 = arith.constant 0 : index
    %swap3A_98 = vector.load %arg3[%swap3A_96, %swap3A_97] : memref<512x128xf32, #tpu.memory_space<vmem>>, vector<8x128xf32>
    tpu.vector_store %arg3[%swap3A_96, %swap3A_97], %get3A_95 {strides = array<i32>} : memref<512x128xf32, #tpu.memory_space<vmem>>, vector<8x128xf32>,
    %sub3A_99 = arith.subf %get3A_95, %select_n3A : vector<8x128xf32>
    %roll3A_100 = arith.constant 127 : i32
    %roll3A_101 = tpu.dynamic_rotate %sub3A_99 by %roll3A_100 dim 1 : vector<8x128xf32>, i32 -> vector<8x128xf32>
    %max3A_102 = arith.maximumf %sub3A_99, %roll3A_101 : vector<8x128xf32>
    %min3A_103 = arith.minimumf %min3A_85, %max3A_102 : vector<8x128xf32>
    %gt3A_104 = arith.cmpf ogt, %get3A_95, %select_n3A_87 : vector<8x128xf32>
    %select_n3A_105 = arith.select %gt3A_104, %get3A_95, %select_n3A_87 : vector<8x128xi1>, vector<8x128xf32>
    %add3A_106 = arith.constant 2048 : i32
    %add3A_107 = arith.addi %mul3A_27, %add3A_106 : i32
    %add3A_108 = vector.broadcast %add3A_107 : i32 to vector<8x128xi32>
    %add3A_109 = arith.addi %or3A, %add3A_108 : vector<8x128xi32>
    %select_n3A_110 = arith.select %gt3A_104, %add3A_109, %select_n3A_92 : vector<8x128xi1>, vector<8x128xi32>
    %get3A_111 = arith.constant 40 : index
    %get3A_112 = arith.constant 0 : index
    %get3A_113 = vector.load %arg2[%get3A_111, %get3A_112] : memref<512x128xf32, #tpu.memory_space<vmem>>, vector<8x128xf32>
    %swap3A_114 = arith.constant 40 : index
    %swap3A_115 = arith.constant 0 : index
    %swap3A_116 = vector.load %arg3[%swap3A_114, %swap3A_115] : memref<512x128xf32, #tpu.memory_space<vmem>>, vector<8x128xf32>
    tpu.vector_store %arg3[%swap3A_114, %swap3A_115], %get3A_113 {strides = array<i32>} : memref<512x128xf32, #tpu.memory_space<vmem>>, vector<8x128xf32>,
    %sub3A_117 = arith.subf %get3A_113, %select_n3A : vector<8x128xf32>
    %roll3A_118 = arith.constant 127 : i32
    %roll3A_119 = tpu.dynamic_rotate %sub3A_117 by %roll3A_118 dim 1 : vector<8x128xf32>, i32 -> vector<8x128xf32>
    %max3A_120 = arith.maximumf %sub3A_117, %roll3A_119 : vector<8x128xf32>
    %min3A_121 = arith.minimumf %min3A_103, %max3A_120 : vector<8x128xf32>
    %gt3A_122 = arith.cmpf ogt, %get3A_113, %select_n3A_105 : vector<8x128xf32>
    %select_n3A_123 = arith.select %gt3A_122, %get3A_113, %select_n3A_105 : vector<8x128xi1>, vector<8x128xf32>
    %add3A_124 = arith.constant 2560 : i32
    %add3A_125 = arith.addi %mul3A_27, %add3A_124 : i32
    %add3A_126 = vector.broadcast %add3A_125 : i32 to vector<8x128xi32>
    %add3A_127 = arith.addi %or3A, %add3A_126 : vector<8x128xi32>
    %select_n3A_128 = arith.select %gt3A_122, %add3A_127, %select_n3A_110 : vector<8x128xi1>, vector<8x128xi32>
    %get3A_129 = arith.constant 48 : index
    %get3A_130 = arith.constant 0 : index
    %get3A_131 = vector.load %arg2[%get3A_129, %get3A_130] : memref<512x128xf32, #tpu.memory_space<vmem>>, vector<8x128xf32>
    %swap3A_132 = arith.constant 48 : index
    %swap3A_133 = arith.constant 0 : index
    %swap3A_134 = vector.load %arg3[%swap3A_132, %swap3A_133] : memref<512x128xf32, #tpu.memory_space<vmem>>, vector<8x128xf32>
    tpu.vector_store %arg3[%swap3A_132, %swap3A_133], %get3A_131 {strides = array<i32>} : memref<512x128xf32, #tpu.memory_space<vmem>>, vector<8x128xf32>,
    %sub3A_135 = arith.subf %get3A_131, %select_n3A : vector<8x128xf32>
    %roll3A_136 = arith.constant 127 : i32
    %roll3A_137 = tpu.dynamic_rotate %sub3A_135 by %roll3A_136 dim 1 : vector<8x128xf32>, i32 -> vector<8x128xf32>
    %max3A_138 = arith.maximumf %sub3A_135, %roll3A_137 : vector<8x128xf32>
    %min3A_139 = arith.minimumf %min3A_121, %max3A_138 : vector<8x128xf32>
    %gt3A_140 = arith.cmpf ogt, %get3A_131, %select_n3A_123 : vector<8x128xf32>
    %select_n3A_141 = arith.select %gt3A_140, %get3A_131, %select_n3A_123 : vector<8x128xi1>, vector<8x128xf32>
    %add3A_142 = arith.constant 3072 : i32
    %add3A_143 = arith.addi %mul3A_27, %add3A_142 : i32
    %add3A_144 = vector.broadcast %add3A_143 : i32 to vector<8x128xi32>
    %add3A_145 = arith.addi %or3A, %add3A_144 : vector<8x128xi32>
    %select_n3A_146 = arith.select %gt3A_140, %add3A_145, %select_n3A_128 : vector<8x128xi1>, vector<8x128xi32>
    %get3A_147 = arith.constant 56 : index
    %get3A_148 = arith.constant 0 : index
    %get3A_149 = vector.load %arg2[%get3A_147, %get3A_148] : memref<512x128xf32, #tpu.memory_space<vmem>>, vector<8x128xf32>
    %swap3A_150 = arith.constant 56 : index
    %swap3A_151 = arith.constant 0 : index
    %swap3A_152 = vector.load %arg3[%swap3A_150, %swap3A_151] : memref<512x128xf32, #tpu.memory_space<vmem>>, vector<8x128xf32>
    tpu.vector_store %arg3[%swap3A_150, %swap3A_151], %get3A_149 {strides = array<i32>} : memref<512x128xf32, #tpu.memory_space<vmem>>, vector<8x128xf32>,
    %sub3A_153 = arith.subf %get3A_149, %select_n3A : vector<8x128xf32>
    %roll3A_154 = arith.constant 127 : i32
    %roll3A_155 = tpu.dynamic_rotate %sub3A_153 by %roll3A_154 dim 1 : vector<8x128xf32>, i32 -> vector<8x128xf32>
    %max3A_156 = arith.maximumf %sub3A_153, %roll3A_155 : vector<8x128xf32>
    %min3A_157 = arith.minimumf %min3A_139, %max3A_156 : vector<8x128xf32>
    %gt3A_158 = arith.cmpf ogt, %get3A_149, %select_n3A_141 : vector<8x128xf32>
    %select_n3A_159 = arith.select %gt3A_158, %get3A_149, %select_n3A_141 : vector<8x128xi1>, vector<8x128xf32>
    %add3A_160 = arith.constant 3584 : i32
    %add3A_161 = arith.addi %mul3A_27, %add3A_160 : i32
    %add3A_162 = vector.broadcast %add3A_161 : i32 to vector<8x128xi32>
    %add3A_163 = arith.addi %or3A, %add3A_162 : vector<8x128xi32>
    %select_n3A_164 = arith.select %gt3A_158, %add3A_163, %select_n3A_146 : vector<8x128xi1>, vector<8x128xi32>
    %get3A_165 = arith.constant 64 : index
    %get3A_166 = arith.constant 0 : index
    %get3A_167 = vector.load %arg2[%get3A_165, %get3A_166] : memref<512x128xf32, #tpu.memory_space<vmem>>, vector<8x128xf32>
    %swap3A_168 = arith.constant 64 : index
    %swap3A_169 = arith.constant 0 : index
    %swap3A_170 = vector.load %arg3[%swap3A_168, %swap3A_169] : memref<512x128xf32, #tpu.memory_space<vmem>>, vector<8x128xf32>
    tpu.vector_store %arg3[%swap3A_168, %swap3A_169], %get3A_167 {strides = array<i32>} : memref<512x128xf32, #tpu.memory_space<vmem>>, vector<8x128xf32>,
    %sub3A_171 = arith.subf %get3A_167, %select_n3A : vector<8x128xf32>
    %roll3A_172 = arith.constant 127 : i32
    %roll3A_173 = tpu.dynamic_rotate %sub3A_171 by %roll3A_172 dim 1 : vector<8x128xf32>, i32 -> vector<8x128xf32>
    %max3A_174 = arith.maximumf %sub3A_171, %roll3A_173 : vector<8x128xf32>
    %min3A_175 = arith.minimumf %min3A_157, %max3A_174 : vector<8x128xf32>
    %gt3A_176 = arith.cmpf ogt, %get3A_167, %select_n3A_159 : vector<8x128xf32>
    %select_n3A_177 = arith.select %gt3A_176, %get3A_167, %select_n3A_159 : vector<8x128xi1>, vector<8x128xf32>
    %add3A_178 = arith.constant 4096 : i32
    %add3A_179 = arith.addi %mul3A_27, %add3A_178 : i32
    %add3A_180 = vector.broadcast %add3A_179 : i32 to vector<8x128xi32>
    %add3A_181 = arith.addi %or3A, %add3A_180 : vector<8x128xi32>
    %select_n3A_182 = arith.select %gt3A_176, %add3A_181, %select_n3A_164 : vector<8x128xi1>, vector<8x128xi32>
    %get3A_183 = arith.constant 72 : index
    %get3A_184 = arith.constant 0 : index
    %get3A_185 = vector.load %arg2[%get3A_183, %get3A_184] : memref<512x128xf32, #tpu.memory_space<vmem>>, vector<8x128xf32>
    %swap3A_186 = arith.constant 72 : index
    %swap3A_187 = arith.constant 0 : index
    %swap3A_188 = vector.load %arg3[%swap3A_186, %swap3A_187] : memref<512x128xf32, #tpu.memory_space<vmem>>, vector<8x128xf32>
    tpu.vector_store %arg3[%swap3A_186, %swap3A_187], %get3A_185 {strides = array<i32>} : memref<512x128xf32, #tpu.memory_space<vmem>>, vector<8x128xf32>,
    %sub3A_189 = arith.subf %get3A_185, %select_n3A : vector<8x128xf32>
    %roll3A_190 = arith.constant 127 : i32
    %roll3A_191 = tpu.dynamic_rotate %sub3A_189 by %roll3A_190 dim 1 : vector<8x128xf32>, i32 -> vector<8x128xf32>
    %max3A_192 = arith.maximumf %sub3A_189, %roll3A_191 : vector<8x128xf32>
    %min3A_193 = arith.minimumf %min3A_175, %max3A_192 : vector<8x128xf32>
    %gt3A_194 = arith.cmpf ogt, %get3A_185, %select_n3A_177 : vector<8x128xf32>
    %select_n3A_195 = arith.select %gt3A_194, %get3A_185, %select_n3A_177 : vector<8x128xi1>, vector<8x128xf32>
    %add3A_196 = arith.constant 4608 : i32
    %add3A_197 = arith.addi %mul3A_27, %add3A_196 : i32
    %add3A_198 = vector.broadcast %add3A_197 : i32 to vector<8x128xi32>
    %add3A_199 = arith.addi %or3A, %add3A_198 : vector<8x128xi32>
    %select_n3A_200 = arith.select %gt3A_194, %add3A_199, %select_n3A_182 : vector<8x128xi1>, vector<8x128xi32>
    %get3A_201 = arith.constant 80 : index
    %get3A_202 = arith.constant 0 : index
    %get3A_203 = vector.load %arg2[%get3A_201, %get3A_202] : memref<512x128xf32, #tpu.memory_space<vmem>>, vector<8x128xf32>
    %swap3A_204 = arith.constant 80 : index
    %swap3A_205 = arith.constant 0 : index
    %swap3A_206 = vector.load %arg3[%swap3A_204, %swap3A_205] : memref<512x128xf32, #tpu.memory_space<vmem>>, vector<8x128xf32>
    tpu.vector_store %arg3[%swap3A_204, %swap3A_205], %get3A_203 {strides = array<i32>} : memref<512x128xf32, #tpu.memory_space<vmem>>, vector<8x128xf32>,
    %sub3A_207 = arith.subf %get3A_203, %select_n3A : vector<8x128xf32>
    %roll3A_208 = arith.constant 127 : i32
    %roll3A_209 = tpu.dynamic_rotate %sub3A_207 by %roll3A_208 dim 1 : vector<8x128xf32>, i32 -> vector<8x128xf32>
    %max3A_210 = arith.maximumf %sub3A_207, %roll3A_209 : vector<8x128xf32>
    %min3A_211 = arith.minimumf %min3A_193, %max3A_210 : vector<8x128xf32>
    %gt3A_212 = arith.cmpf ogt, %get3A_203, %select_n3A_195 : vector<8x128xf32>
    %select_n3A_213 = arith.select %gt3A_212, %get3A_203, %select_n3A_195 : vector<8x128xi1>, vector<8x128xf32>
    %add3A_214 = arith.constant 5120 : i32
    %add3A_215 = arith.addi %mul3A_27, %add3A_214 : i32
    %add3A_216 = vector.broadcast %add3A_215 : i32 to vector<8x128xi32>
    %add3A_217 = arith.addi %or3A, %add3A_216 : vector<8x128xi32>
    %select_n3A_218 = arith.select %gt3A_212, %add3A_217, %select_n3A_200 : vector<8x128xi1>, vector<8x128xi32>
    %get3A_219 = arith.constant 88 : index
    %get3A_220 = arith.constant 0 : index
    %get3A_221 = vector.load %arg2[%get3A_219, %get3A_220] : memref<512x128xf32, #tpu.memory_space<vmem>>, vector<8x128xf32>
    %swap3A_222 = arith.constant 88 : index
    %swap3A_223 = arith.constant 0 : index
    %swap3A_224 = vector.load %arg3[%swap3A_222, %swap3A_223] : memref<512x128xf32, #tpu.memory_space<vmem>>, vector<8x128xf32>
    tpu.vector_store %arg3[%swap3A_222, %swap3A_223], %get3A_221 {strides = array<i32>} : memref<512x128xf32, #tpu.memory_space<vmem>>, vector<8x128xf32>,
    %sub3A_225 = arith.subf %get3A_221, %select_n3A : vector<8x128xf32>
    %roll3A_226 = arith.constant 127 : i32
    %roll3A_227 = tpu.dynamic_rotate %sub3A_225 by %roll3A_226 dim 1 : vector<8x128xf32>, i32 -> vector<8x128xf32>
    %max3A_228 = arith.maximumf %sub3A_225, %roll3A_227 : vector<8x128xf32>
    %min3A_229 = arith.minimumf %min3A_211, %max3A_228 : vector<8x128xf32>
    %gt3A_230 = arith.cmpf ogt, %get3A_221, %select_n3A_213 : vector<8x128xf32>
    %select_n3A_231 = arith.select %gt3A_230, %get3A_221, %select_n3A_213 : vector<8x128xi1>, vector<8x128xf32>
    %add3A_232 = arith.constant 5632 : i32
    %add3A_233 = arith.addi %mul3A_27, %add3A_232 : i32
    %add3A_234 = vector.broadcast %add3A_233 : i32 to vector<8x128xi32>
    %add3A_235 = arith.addi %or3A, %add3A_234 : vector<8x128xi32>
    %select_n3A_236 = arith.select %gt3A_230, %add3A_235, %select_n3A_218 : vector<8x128xi1>, vector<8x128xi32>
    %get3A_237 = arith.constant 96 : index
    %get3A_238 = arith.constant 0 : index
    %get3A_239 = vector.load %arg2[%get3A_237, %get3A_238] : memref<512x128xf32, #tpu.memory_space<vmem>>, vector<8x128xf32>
    %swap3A_240 = arith.constant 96 : index
    %swap3A_241 = arith.constant 0 : index
    %swap3A_242 = vector.load %arg3[%swap3A_240, %swap3A_241] : memref<512x128xf32, #tpu.memory_space<vmem>>, vector<8x128xf32>
    tpu.vector_store %arg3[%swap3A_240, %swap3A_241], %get3A_239 {strides = array<i32>} : memref<512x128xf32, #tpu.memory_space<vmem>>, vector<8x128xf32>,
    %sub3A_243 = arith.subf %get3A_239, %select_n3A : vector<8x128xf32>
    %roll3A_244 = arith.constant 127 : i32
    %roll3A_245 = tpu.dynamic_rotate %sub3A_243 by %roll3A_244 dim 1 : vector<8x128xf32>, i32 -> vector<8x128xf32>
    %max3A_246 = arith.maximumf %sub3A_243, %roll3A_245 : vector<8x128xf32>
    %min3A_247 = arith.minimumf %min3A_229, %max3A_246 : vector<8x128xf32>
    %gt3A_248 = arith.cmpf ogt, %get3A_239, %select_n3A_231 : vector<8x128xf32>
    %select_n3A_249 = arith.select %gt3A_248, %get3A_239, %select_n3A_231 : vector<8x128xi1>, vector<8x128xf32>
    %add3A_250 = arith.constant 6144 : i32
    %add3A_251 = arith.addi %mul3A_27, %add3A_250 : i32
    %add3A_252 = vector.broadcast %add3A_251 : i32 to vector<8x128xi32>
    %add3A_253 = arith.addi %or3A, %add3A_252 : vector<8x128xi32>
    %select_n3A_254 = arith.select %gt3A_248, %add3A_253, %select_n3A_236 : vector<8x128xi1>, vector<8x128xi32>
    %get3A_255 = arith.constant 104 : index
    %get3A_256 = arith.constant 0 : index
    %get3A_257 = vector.load %arg2[%get3A_255, %get3A_256] : memref<512x128xf32, #tpu.memory_space<vmem>>, vector<8x128xf32>
    %swap3A_258 = arith.constant 104 : index
    %swap3A_259 = arith.constant 0 : index
    %swap3A_260 = vector.load %arg3[%swap3A_258, %swap3A_259] : memref<512x128xf32, #tpu.memory_space<vmem>>, vector<8x128xf32>
    tpu.vector_store %arg3[%swap3A_258, %swap3A_259], %get3A_257 {strides = array<i32>} : memref<512x128xf32, #tpu.memory_space<vmem>>, vector<8x128xf32>,
    %sub3A_261 = arith.subf %get3A_257, %select_n3A : vector<8x128xf32>
    %roll3A_262 = arith.constant 127 : i32
    %roll3A_263 = tpu.dynamic_rotate %sub3A_261 by %roll3A_262 dim 1 : vector<8x128xf32>, i32 -> vector<8x128xf32>
    %max3A_264 = arith.maximumf %sub3A_261, %roll3A_263 : vector<8x128xf32>
    %min3A_265 = arith.minimumf %min3A_247, %max3A_264 : vector<8x128xf32>
    %gt3A_266 = arith.cmpf ogt, %get3A_257, %select_n3A_249 : vector<8x128xf32>
    %select_n3A_267 = arith.select %gt3A_266, %get3A_257, %select_n3A_249 : vector<8x128xi1>, vector<8x128xf32>
    %add3A_268 = arith.constant 6656 : i32
    %add3A_269 = arith.addi %mul3A_27, %add3A_268 : i32
    %add3A_270 = vector.broadcast %add3A_269 : i32 to vector<8x128xi32>
    %add3A_271 = arith.addi %or3A, %add3A_270 : vector<8x128xi32>
    %select_n3A_272 = arith.select %gt3A_266, %add3A_271, %select_n3A_254 : vector<8x128xi1>, vector<8x128xi32>
    %get3A_273 = arith.constant 112 : index
    %get3A_274 = arith.constant 0 : index
    %get3A_275 = vector.load %arg2[%get3A_273, %get3A_274] : memref<512x128xf32, #tpu.memory_space<vmem>>, vector<8x128xf32>
    %swap3A_276 = arith.constant 112 : index
    %swap3A_277 = arith.constant 0 : index
    %swap3A_278 = vector.load %arg3[%swap3A_276, %swap3A_277] : memref<512x128xf32, #tpu.memory_space<vmem>>, vector<8x128xf32>
    tpu.vector_store %arg3[%swap3A_276, %swap3A_277], %get3A_275 {strides = array<i32>} : memref<512x128xf32, #tpu.memory_space<vmem>>, vector<8x128xf32>,
    %sub3A_279 = arith.subf %get3A_275, %select_n3A : vector<8x128xf32>
    %roll3A_280 = arith.constant 127 : i32
    %roll3A_281 = tpu.dynamic_rotate %sub3A_279 by %roll3A_280 dim 1 : vector<8x128xf32>, i32 -> vector<8x128xf32>
    %max3A_282 = arith.maximumf %sub3A_279, %roll3A_281 : vector<8x128xf32>
    %min3A_283 = arith.minimumf %min3A_265, %max3A_282 : vector<8x128xf32>
    %gt3A_284 = arith.cmpf ogt, %get3A_275, %select_n3A_267 : vector<8x128xf32>
    %select_n3A_285 = arith.select %gt3A_284, %get3A_275, %select_n3A_267 : vector<8x128xi1>, vector<8x128xf32>
    %add3A_286 = arith.constant 7168 : i32
    %add3A_287 = arith.addi %mul3A_27, %add3A_286 : i32
    %add3A_288 = vector.broadcast %add3A_287 : i32 to vector<8x128xi32>
    %add3A_289 = arith.addi %or3A, %add3A_288 : vector<8x128xi32>
    %select_n3A_290 = arith.select %gt3A_284, %add3A_289, %select_n3A_272 : vector<8x128xi1>, vector<8x128xi32>
    %get3A_291 = arith.constant 120 : index
    %get3A_292 = arith.constant 0 : index
    %get3A_293 = vector.load %arg2[%get3A_291, %get3A_292] : memref<512x128xf32, #tpu.memory_space<vmem>>, vector<8x128xf32>
    %swap3A_294 = arith.constant 120 : index
    %swap3A_295 = arith.constant 0 : index
    %swap3A_296 = vector.load %arg3[%swap3A_294, %swap3A_295] : memref<512x128xf32, #tpu.memory_space<vmem>>, vector<8x128xf32>
    tpu.vector_store %arg3[%swap3A_294, %swap3A_295], %get3A_293 {strides = array<i32>} : memref<512x128xf32, #tpu.memory_space<vmem>>, vector<8x128xf32>,
    %sub3A_297 = arith.subf %get3A_293, %select_n3A : vector<8x128xf32>
    %roll3A_298 = arith.constant 127 : i32
    %roll3A_299 = tpu.dynamic_rotate %sub3A_297 by %roll3A_298 dim 1 : vector<8x128xf32>, i32 -> vector<8x128xf32>
    %max3A_300 = arith.maximumf %sub3A_297, %roll3A_299 : vector<8x128xf32>
    %min3A_301 = arith.minimumf %min3A_283, %max3A_300 : vector<8x128xf32>
    %gt3A_302 = arith.cmpf ogt, %get3A_293, %select_n3A_285 : vector<8x128xf32>
    %select_n3A_303 = arith.select %gt3A_302, %get3A_293, %select_n3A_285 : vector<8x128xi1>, vector<8x128xf32>
    %add3A_304 = arith.constant 7680 : i32
    %add3A_305 = arith.addi %mul3A_27, %add3A_304 : i32
    %add3A_306 = vector.broadcast %add3A_305 : i32 to vector<8x128xi32>
    %add3A_307 = arith.addi %or3A, %add3A_306 : vector<8x128xi32>
    %select_n3A_308 = arith.select %gt3A_302, %add3A_307, %select_n3A_290 : vector<8x128xi1>, vector<8x128xi32>
    %get3A_309 = arith.constant 128 : index
    %get3A_310 = arith.constant 0 : index
    %get3A_311 = vector.load %arg2[%get3A_309, %get3A_310] : memref<512x128xf32, #tpu.memory_space<vmem>>, vector<8x128xf32>
    %swap3A_312 = arith.constant 128 : index
    %swap3A_313 = arith.constant 0 : index
    %swap3A_314 = vector.load %arg3[%swap3A_312, %swap3A_313] : memref<512x128xf32, #tpu.memory_space<vmem>>, vector<8x128xf32>
    tpu.vector_store %arg3[%swap3A_312, %swap3A_313], %get3A_311 {strides = array<i32>} : memref<512x128xf32, #tpu.memory_space<vmem>>, vector<8x128xf32>,
    %sub3A_315 = arith.subf %get3A_311, %select_n3A : vector<8x128xf32>
    %roll3A_316 = arith.constant 127 : i32
    %roll3A_317 = tpu.dynamic_rotate %sub3A_315 by %roll3A_316 dim 1 : vector<8x128xf32>, i32 -> vector<8x128xf32>
    %max3A_318 = arith.maximumf %sub3A_315, %roll3A_317 : vector<8x128xf32>
    %min3A_319 = arith.minimumf %min3A_301, %max3A_318 : vector<8x128xf32>
    %gt3A_320 = arith.cmpf ogt, %get3A_311, %select_n3A_303 : vector<8x128xf32>
    %select_n3A_321 = arith.select %gt3A_320, %get3A_311, %select_n3A_303 : vector<8x128xi1>, vector<8x128xf32>
    %add3A_322 = arith.constant 8192 : i32
    %add3A_323 = arith.addi %mul3A_27, %add3A_322 : i32
    %add3A_324 = vector.broadcast %add3A_323 : i32 to vector<8x128xi32>
    %add3A_325 = arith.addi %or3A, %add3A_324 : vector<8x128xi32>
    %select_n3A_326 = arith.select %gt3A_320, %add3A_325, %select_n3A_308 : vector<8x128xi1>, vector<8x128xi32>
    %get3A_327 = arith.constant 136 : index
    %get3A_328 = arith.constant 0 : index
    %get3A_329 = vector.load %arg2[%get3A_327, %get3A_328] : memref<512x128xf32, #tpu.memory_space<vmem>>, vector<8x128xf32>
    %swap3A_330 = arith.constant 136 : index
    %swap3A_331 = arith.constant 0 : index
    %swap3A_332 = vector.load %arg3[%swap3A_330, %swap3A_331] : memref<512x128xf32, #tpu.memory_space<vmem>>, vector<8x128xf32>
    tpu.vector_store %arg3[%swap3A_330, %swap3A_331], %get3A_329 {strides = array<i32>} : memref<512x128xf32, #tpu.memory_space<vmem>>, vector<8x128xf32>,
    %sub3A_333 = arith.subf %get3A_329, %select_n3A : vector<8x128xf32>
    %roll3A_334 = arith.constant 127 : i32
    %roll3A_335 = tpu.dynamic_rotate %sub3A_333 by %roll3A_334 dim 1 : vector<8x128xf32>, i32 -> vector<8x128xf32>
    %max3A_336 = arith.maximumf %sub3A_333, %roll3A_335 : vector<8x128xf32>
    %min3A_337 = arith.minimumf %min3A_319, %max3A_336 : vector<8x128xf32>
    %gt3A_338 = arith.cmpf ogt, %get3A_329, %select_n3A_321 : vector<8x128xf32>
    %select_n3A_339 = arith.select %gt3A_338, %get3A_329, %select_n3A_321 : vector<8x128xi1>, vector<8x128xf32>
    %add3A_340 = arith.constant 8704 : i32
    %add3A_341 = arith.addi %mul3A_27, %add3A_340 : i32
    %add3A_342 = vector.broadcast %add3A_341 : i32 to vector<8x128xi32>
    %add3A_343 = arith.addi %or3A, %add3A_342 : vector<8x128xi32>
    %select_n3A_344 = arith.select %gt3A_338, %add3A_343, %select_n3A_326 : vector<8x128xi1>, vector<8x128xi32>
    %get3A_345 = arith.constant 144 : index
    %get3A_346 = arith.constant 0 : index
    %get3A_347 = vector.load %arg2[%get3A_345, %get3A_346] : memref<512x128xf32, #tpu.memory_space<vmem>>, vector<8x128xf32>
    %swap3A_348 = arith.constant 144 : index
    %swap3A_349 = arith.constant 0 : index
    %swap3A_350 = vector.load %arg3[%swap3A_348, %swap3A_349] : memref<512x128xf32, #tpu.memory_space<vmem>>, vector<8x128xf32>
    tpu.vector_store %arg3[%swap3A_348, %swap3A_349], %get3A_347 {strides = array<i32>} : memref<512x128xf32, #tpu.memory_space<vmem>>, vector<8x128xf32>,
    %sub3A_351 = arith.subf %get3A_347, %select_n3A : vector<8x128xf32>
    %roll3A_352 = arith.constant 127 : i32
    %roll3A_353 = tpu.dynamic_rotate %sub3A_351 by %roll3A_352 dim 1 : vector<8x128xf32>, i32 -> vector<8x128xf32>
    %max3A_354 = arith.maximumf %sub3A_351, %roll3A_353 : vector<8x128xf32>
    %min3A_355 = arith.minimumf %min3A_337, %max3A_354 : vector<8x128xf32>
    %gt3A_356 = arith.cmpf ogt, %get3A_347, %select_n3A_339 : vector<8x128xf32>
    %select_n3A_357 = arith.select %gt3A_356, %get3A_347, %select_n3A_339 : vector<8x128xi1>, vector<8x128xf32>
    %add3A_358 = arith.constant 9216 : i32
    %add3A_359 = arith.addi %mul3A_27, %add3A_358 : i32
    %add3A_360 = vector.broadcast %add3A_359 : i32 to vector<8x128xi32>
    %add3A_361 = arith.addi %or3A, %add3A_360 : vector<8x128xi32>
    %select_n3A_362 = arith.select %gt3A_356, %add3A_361, %select_n3A_344 : vector<8x128xi1>, vector<8x128xi32>
    %get3A_363 = arith.constant 152 : index
    %get3A_364 = arith.constant 0 : index
    %get3A_365 = vector.load %arg2[%get3A_363, %get3A_364] : memref<512x128xf32, #tpu.memory_space<vmem>>, vector<8x128xf32>
    %swap3A_366 = arith.constant 152 : index
    %swap3A_367 = arith.constant 0 : index
    %swap3A_368 = vector.load %arg3[%swap3A_366, %swap3A_367] : memref<512x128xf32, #tpu.memory_space<vmem>>, vector<8x128xf32>
    tpu.vector_store %arg3[%swap3A_366, %swap3A_367], %get3A_365 {strides = array<i32>} : memref<512x128xf32, #tpu.memory_space<vmem>>, vector<8x128xf32>,
    %sub3A_369 = arith.subf %get3A_365, %select_n3A : vector<8x128xf32>
    %roll3A_370 = arith.constant 127 : i32
    %roll3A_371 = tpu.dynamic_rotate %sub3A_369 by %roll3A_370 dim 1 : vector<8x128xf32>, i32 -> vector<8x128xf32>
    %max3A_372 = arith.maximumf %sub3A_369, %roll3A_371 : vector<8x128xf32>
    %min3A_373 = arith.minimumf %min3A_355, %max3A_372 : vector<8x128xf32>
    %gt3A_374 = arith.cmpf ogt, %get3A_365, %select_n3A_357 : vector<8x128xf32>
    %select_n3A_375 = arith.select %gt3A_374, %get3A_365, %select_n3A_357 : vector<8x128xi1>, vector<8x128xf32>
    %add3A_376 = arith.constant 9728 : i32
    %add3A_377 = arith.addi %mul3A_27, %add3A_376 : i32
    %add3A_378 = vector.broadcast %add3A_377 : i32 to vector<8x128xi32>
    %add3A_379 = arith.addi %or3A, %add3A_378 : vector<8x128xi32>
    %select_n3A_380 = arith.select %gt3A_374, %add3A_379, %select_n3A_362 : vector<8x128xi1>, vector<8x128xi32>
    %get3A_381 = arith.constant 160 : index
    %get3A_382 = arith.constant 0 : index
    %get3A_383 = vector.load %arg2[%get3A_381, %get3A_382] : memref<512x128xf32, #tpu.memory_space<vmem>>, vector<8x128xf32>
    %swap3A_384 = arith.constant 160 : index
    %swap3A_385 = arith.constant 0 : index
    %swap3A_386 = vector.load %arg3[%swap3A_384, %swap3A_385] : memref<512x128xf32, #tpu.memory_space<vmem>>, vector<8x128xf32>
    tpu.vector_store %arg3[%swap3A_384, %swap3A_385], %get3A_383 {strides = array<i32>} : memref<512x128xf32, #tpu.memory_space<vmem>>, vector<8x128xf32>,
    %sub3A_387 = arith.subf %get3A_383, %select_n3A : vector<8x128xf32>
    %roll3A_388 = arith.constant 127 : i32
    %roll3A_389 = tpu.dynamic_rotate %sub3A_387 by %roll3A_388 dim 1 : vector<8x128xf32>, i32 -> vector<8x128xf32>
    %max3A_390 = arith.maximumf %sub3A_387, %roll3A_389 : vector<8x128xf32>
    %min3A_391 = arith.minimumf %min3A_373, %max3A_390 : vector<8x128xf32>
    %gt3A_392 = arith.cmpf ogt, %get3A_383, %select_n3A_375 : vector<8x128xf32>
    %select_n3A_393 = arith.select %gt3A_392, %get3A_383, %select_n3A_375 : vector<8x128xi1>, vector<8x128xf32>
    %add3A_394 = arith.constant 10240 : i32
    %add3A_395 = arith.addi %mul3A_27, %add3A_394 : i32
    %add3A_396 = vector.broadcast %add3A_395 : i32 to vector<8x128xi32>
    %add3A_397 = arith.addi %or3A, %add3A_396 : vector<8x128xi32>
    %select_n3A_398 = arith.select %gt3A_392, %add3A_397, %select_n3A_380 : vector<8x128xi1>, vector<8x128xi32>
    %get3A_399 = arith.constant 168 : index
    %get3A_400 = arith.constant 0 : index
    %get3A_401 = vector.load %arg2[%get3A_399, %get3A_400] : memref<512x128xf32, #tpu.memory_space<vmem>>, vector<8x128xf32>
    %swap3A_402 = arith.constant 168 : index
    %swap3A_403 = arith.constant 0 : index
    %swap3A_404 = vector.load %arg3[%swap3A_402, %swap3A_403] : memref<512x128xf32, #tpu.memory_space<vmem>>, vector<8x128xf32>
    tpu.vector_store %arg3[%swap3A_402, %swap3A_403], %get3A_401 {strides = array<i32>} : memref<512x128xf32, #tpu.memory_space<vmem>>, vector<8x128xf32>,
    %sub3A_405 = arith.subf %get3A_401, %select_n3A : vector<8x128xf32>
    %roll3A_406 = arith.constant 127 : i32
    %roll3A_407 = tpu.dynamic_rotate %sub3A_405 by %roll3A_406 dim 1 : vector<8x128xf32>, i32 -> vector<8x128xf32>
    %max3A_408 = arith.maximumf %sub3A_405, %roll3A_407 : vector<8x128xf32>
    %min3A_409 = arith.minimumf %min3A_391, %max3A_408 : vector<8x128xf32>
    %gt3A_410 = arith.cmpf ogt, %get3A_401, %select_n3A_393 : vector<8x128xf32>
    %select_n3A_411 = arith.select %gt3A_410, %get3A_401, %select_n3A_393 : vector<8x128xi1>, vector<8x128xf32>
    %add3A_412 = arith.constant 10752 : i32
    %add3A_413 = arith.addi %mul3A_27, %add3A_412 : i32
    %add3A_414 = vector.broadcast %add3A_413 : i32 to vector<8x128xi32>
    %add3A_415 = arith.addi %or3A, %add3A_414 : vector<8x128xi32>
    %select_n3A_416 = arith.select %gt3A_410, %add3A_415, %select_n3A_398 : vector<8x128xi1>, vector<8x128xi32>
    %get3A_417 = arith.constant 176 : index
    %get3A_418 = arith.constant 0 : index
    %get3A_419 = vector.load %arg2[%get3A_417, %get3A_418] : memref<512x128xf32, #tpu.memory_space<vmem>>, vector<8x128xf32>
    %swap3A_420 = arith.constant 176 : index
    %swap3A_421 = arith.constant 0 : index
    %swap3A_422 = vector.load %arg3[%swap3A_420, %swap3A_421] : memref<512x128xf32, #tpu.memory_space<vmem>>, vector<8x128xf32>
    tpu.vector_store %arg3[%swap3A_420, %swap3A_421], %get3A_419 {strides = array<i32>} : memref<512x128xf32, #tpu.memory_space<vmem>>, vector<8x128xf32>,
    %sub3A_423 = arith.subf %get3A_419, %select_n3A : vector<8x128xf32>
    %roll3A_424 = arith.constant 127 : i32
    %roll3A_425 = tpu.dynamic_rotate %sub3A_423 by %roll3A_424 dim 1 : vector<8x128xf32>, i32 -> vector<8x128xf32>
    %max3A_426 = arith.maximumf %sub3A_423, %roll3A_425 : vector<8x128xf32>
    %min3A_427 = arith.minimumf %min3A_409, %max3A_426 : vector<8x128xf32>
    %gt3A_428 = arith.cmpf ogt, %get3A_419, %select_n3A_411 : vector<8x128xf32>
    %select_n3A_429 = arith.select %gt3A_428, %get3A_419, %select_n3A_411 : vector<8x128xi1>, vector<8x128xf32>
    %add3A_430 = arith.constant 11264 : i32
    %add3A_431 = arith.addi %mul3A_27, %add3A_430 : i32
    %add3A_432 = vector.broadcast %add3A_431 : i32 to vector<8x128xi32>
    %add3A_433 = arith.addi %or3A, %add3A_432 : vector<8x128xi32>
    %select_n3A_434 = arith.select %gt3A_428, %add3A_433, %select_n3A_416 : vector<8x128xi1>, vector<8x128xi32>
    %get3A_435 = arith.constant 184 : index
    %get3A_436 = arith.constant 0 : index
    %get3A_437 = vector.load %arg2[%get3A_435, %get3A_436] : memref<512x128xf32, #tpu.memory_space<vmem>>, vector<8x128xf32>
    %swap3A_438 = arith.constant 184 : index
    %swap3A_439 = arith.constant 0 : index
    %swap3A_440 = vector.load %arg3[%swap3A_438, %swap3A_439] : memref<512x128xf32, #tpu.memory_space<vmem>>, vector<8x128xf32>
    tpu.vector_store %arg3[%swap3A_438, %swap3A_439], %get3A_437 {strides = array<i32>} : memref<512x128xf32, #tpu.memory_space<vmem>>, vector<8x128xf32>,
    %sub3A_441 = arith.subf %get3A_437, %select_n3A : vector<8x128xf32>
    %roll3A_442 = arith.constant 127 : i32
    %roll3A_443 = tpu.dynamic_rotate %sub3A_441 by %roll3A_442 dim 1 : vector<8x128xf32>, i32 -> vector<8x128xf32>
    %max3A_444 = arith.maximumf %sub3A_441, %roll3A_443 : vector<8x128xf32>
    %min3A_445 = arith.minimumf %min3A_427, %max3A_444 : vector<8x128xf32>
    %gt3A_446 = arith.cmpf ogt, %get3A_437, %select_n3A_429 : vector<8x128xf32>
    %select_n3A_447 = arith.select %gt3A_446, %get3A_437, %select_n3A_429 : vector<8x128xi1>, vector<8x128xf32>
    %add3A_448 = arith.constant 11776 : i32
    %add3A_449 = arith.addi %mul3A_27, %add3A_448 : i32
    %add3A_450 = vector.broadcast %add3A_449 : i32 to vector<8x128xi32>
    %add3A_451 = arith.addi %or3A, %add3A_450 : vector<8x128xi32>
    %select_n3A_452 = arith.select %gt3A_446, %add3A_451, %select_n3A_434 : vector<8x128xi1>, vector<8x128xi32>
    %get3A_453 = arith.constant 192 : index
    %get3A_454 = arith.constant 0 : index
    %get3A_455 = vector.load %arg2[%get3A_453, %get3A_454] : memref<512x128xf32, #tpu.memory_space<vmem>>, vector<8x128xf32>
    %swap3A_456 = arith.constant 192 : index
    %swap3A_457 = arith.constant 0 : index
    %swap3A_458 = vector.load %arg3[%swap3A_456, %swap3A_457] : memref<512x128xf32, #tpu.memory_space<vmem>>, vector<8x128xf32>
    tpu.vector_store %arg3[%swap3A_456, %swap3A_457], %get3A_455 {strides = array<i32>} : memref<512x128xf32, #tpu.memory_space<vmem>>, vector<8x128xf32>,
    %sub3A_459 = arith.subf %get3A_455, %select_n3A : vector<8x128xf32>
    %roll3A_460 = arith.constant 127 : i32
    %roll3A_461 = tpu.dynamic_rotate %sub3A_459 by %roll3A_460 dim 1 : vector<8x128xf32>, i32 -> vector<8x128xf32>
    %max3A_462 = arith.maximumf %sub3A_459, %roll3A_461 : vector<8x128xf32>
    %min3A_463 = arith.minimumf %min3A_445, %max3A_462 : vector<8x128xf32>
    %gt3A_464 = arith.cmpf ogt, %get3A_455, %select_n3A_447 : vector<8x128xf32>
    %select_n3A_465 = arith.select %gt3A_464, %get3A_455, %select_n3A_447 : vector<8x128xi1>, vector<8x128xf32>
    %add3A_466 = arith.constant 12288 : i32
    %add3A_467 = arith.addi %mul3A_27, %add3A_466 : i32
    %add3A_468 = vector.broadcast %add3A_467 : i32 to vector<8x128xi32>
    %add3A_469 = arith.addi %or3A, %add3A_468 : vector<8x128xi32>
    %select_n3A_470 = arith.select %gt3A_464, %add3A_469, %select_n3A_452 : vector<8x128xi1>, vector<8x128xi32>
    %get3A_471 = arith.constant 200 : index
    %get3A_472 = arith.constant 0 : index
    %get3A_473 = vector.load %arg2[%get3A_471, %get3A_472] : memref<512x128xf32, #tpu.memory_space<vmem>>, vector<8x128xf32>
    %swap3A_474 = arith.constant 200 : index
    %swap3A_475 = arith.constant 0 : index
    %swap3A_476 = vector.load %arg3[%swap3A_474, %swap3A_475] : memref<512x128xf32, #tpu.memory_space<vmem>>, vector<8x128xf32>
    tpu.vector_store %arg3[%swap3A_474, %swap3A_475], %get3A_473 {strides = array<i32>} : memref<512x128xf32, #tpu.memory_space<vmem>>, vector<8x128xf32>,
    %sub3A_477 = arith.subf %get3A_473, %select_n3A : vector<8x128xf32>
    %roll3A_478 = arith.constant 127 : i32
    %roll3A_479 = tpu.dynamic_rotate %sub3A_477 by %roll3A_478 dim 1 : vector<8x128xf32>, i32 -> vector<8x128xf32>
    %max3A_480 = arith.maximumf %sub3A_477, %roll3A_479 : vector<8x128xf32>
    %min3A_481 = arith.minimumf %min3A_463, %max3A_480 : vector<8x128xf32>
    %gt3A_482 = arith.cmpf ogt, %get3A_473, %select_n3A_465 : vector<8x128xf32>
    %select_n3A_483 = arith.select %gt3A_482, %get3A_473, %select_n3A_465 : vector<8x128xi1>, vector<8x128xf32>
    %add3A_484 = arith.constant 12800 : i32
    %add3A_485 = arith.addi %mul3A_27, %add3A_484 : i32
    %add3A_486 = vector.broadcast %add3A_485 : i32 to vector<8x128xi32>
    %add3A_487 = arith.addi %or3A, %add3A_486 : vector<8x128xi32>
    %select_n3A_488 = arith.select %gt3A_482, %add3A_487, %select_n3A_470 : vector<8x128xi1>, vector<8x128xi32>
    %get3A_489 = arith.constant 208 : index
    %get3A_490 = arith.constant 0 : index
    %get3A_491 = vector.load %arg2[%get3A_489, %get3A_490] : memref<512x128xf32, #tpu.memory_space<vmem>>, vector<8x128xf32>
    %swap3A_492 = arith.constant 208 : index
    %swap3A_493 = arith.constant 0 : index
    %swap3A_494 = vector.load %arg3[%swap3A_492, %swap3A_493] : memref<512x128xf32, #tpu.memory_space<vmem>>, vector<8x128xf32>
    tpu.vector_store %arg3[%swap3A_492, %swap3A_493], %get3A_491 {strides = array<i32>} : memref<512x128xf32, #tpu.memory_space<vmem>>, vector<8x128xf32>,
    %sub3A_495 = arith.subf %get3A_491, %select_n3A : vector<8x128xf32>
    %roll3A_496 = arith.constant 127 : i32
    %roll3A_497 = tpu.dynamic_rotate %sub3A_495 by %roll3A_496 dim 1 : vector<8x128xf32>, i32 -> vector<8x128xf32>
    %max3A_498 = arith.maximumf %sub3A_495, %roll3A_497 : vector<8x128xf32>
    %min3A_499 = arith.minimumf %min3A_481, %max3A_498 : vector<8x128xf32>
    %gt3A_500 = arith.cmpf ogt, %get3A_491, %select_n3A_483 : vector<8x128xf32>
    %select_n3A_501 = arith.select %gt3A_500, %get3A_491, %select_n3A_483 : vector<8x128xi1>, vector<8x128xf32>
    %add3A_502 = arith.constant 13312 : i32
    %add3A_503 = arith.addi %mul3A_27, %add3A_502 : i32
    %add3A_504 = vector.broadcast %add3A_503 : i32 to vector<8x128xi32>
    %add3A_505 = arith.addi %or3A, %add3A_504 : vector<8x128xi32>
    %select_n3A_506 = arith.select %gt3A_500, %add3A_505, %select_n3A_488 : vector<8x128xi1>, vector<8x128xi32>
    %get3A_507 = arith.constant 216 : index
    %get3A_508 = arith.constant 0 : index
    %get3A_509 = vector.load %arg2[%get3A_507, %get3A_508] : memref<512x128xf32, #tpu.memory_space<vmem>>, vector<8x128xf32>
    %swap3A_510 = arith.constant 216 : index
    %swap3A_511 = arith.constant 0 : index
    %swap3A_512 = vector.load %arg3[%swap3A_510, %swap3A_511] : memref<512x128xf32, #tpu.memory_space<vmem>>, vector<8x128xf32>
    tpu.vector_store %arg3[%swap3A_510, %swap3A_511], %get3A_509 {strides = array<i32>} : memref<512x128xf32, #tpu.memory_space<vmem>>, vector<8x128xf32>,
    %sub3A_513 = arith.subf %get3A_509, %select_n3A : vector<8x128xf32>
    %roll3A_514 = arith.constant 127 : i32
    %roll3A_515 = tpu.dynamic_rotate %sub3A_513 by %roll3A_514 dim 1 : vector<8x128xf32>, i32 -> vector<8x128xf32>
    %max3A_516 = arith.maximumf %sub3A_513, %roll3A_515 : vector<8x128xf32>
    %min3A_517 = arith.minimumf %min3A_499, %max3A_516 : vector<8x128xf32>
    %gt3A_518 = arith.cmpf ogt, %get3A_509, %select_n3A_501 : vector<8x128xf32>
    %select_n3A_519 = arith.select %gt3A_518, %get3A_509, %select_n3A_501 : vector<8x128xi1>, vector<8x128xf32>
    %add3A_520 = arith.constant 13824 : i32
    %add3A_521 = arith.addi %mul3A_27, %add3A_520 : i32
    %add3A_522 = vector.broadcast %add3A_521 : i32 to vector<8x128xi32>
    %add3A_523 = arith.addi %or3A, %add3A_522 : vector<8x128xi32>
    %select_n3A_524 = arith.select %gt3A_518, %add3A_523, %select_n3A_506 : vector<8x128xi1>, vector<8x128xi32>
    %get3A_525 = arith.constant 224 : index
    %get3A_526 = arith.constant 0 : index
    %get3A_527 = vector.load %arg2[%get3A_525, %get3A_526] : memref<512x128xf32, #tpu.memory_space<vmem>>, vector<8x128xf32>
    %swap3A_528 = arith.constant 224 : index
    %swap3A_529 = arith.constant 0 : index
    %swap3A_530 = vector.load %arg3[%swap3A_528, %swap3A_529] : memref<512x128xf32, #tpu.memory_space<vmem>>, vector<8x128xf32>
    tpu.vector_store %arg3[%swap3A_528, %swap3A_529], %get3A_527 {strides = array<i32>} : memref<512x128xf32, #tpu.memory_space<vmem>>, vector<8x128xf32>,
    %sub3A_531 = arith.subf %get3A_527, %select_n3A : vector<8x128xf32>
    %roll3A_532 = arith.constant 127 : i32
    %roll3A_533 = tpu.dynamic_rotate %sub3A_531 by %roll3A_532 dim 1 : vector<8x128xf32>, i32 -> vector<8x128xf32>
    %max3A_534 = arith.maximumf %sub3A_531, %roll3A_533 : vector<8x128xf32>
    %min3A_535 = arith.minimumf %min3A_517, %max3A_534 : vector<8x128xf32>
    %gt3A_536 = arith.cmpf ogt, %get3A_527, %select_n3A_519 : vector<8x128xf32>
    %select_n3A_537 = arith.select %gt3A_536, %get3A_527, %select_n3A_519 : vector<8x128xi1>, vector<8x128xf32>
    %add3A_538 = arith.constant 14336 : i32
    %add3A_539 = arith.addi %mul3A_27, %add3A_538 : i32
    %add3A_540 = vector.broadcast %add3A_539 : i32 to vector<8x128xi32>
    %add3A_541 = arith.addi %or3A, %add3A_540 : vector<8x128xi32>
    %select_n3A_542 = arith.select %gt3A_536, %add3A_541, %select_n3A_524 : vector<8x128xi1>, vector<8x128xi32>
    %get3A_543 = arith.constant 232 : index
    %get3A_544 = arith.constant 0 : index
    %get3A_545 = vector.load %arg2[%get3A_543, %get3A_544] : memref<512x128xf32, #tpu.memory_space<vmem>>, vector<8x128xf32>
    %swap3A_546 = arith.constant 232 : index
    %swap3A_547 = arith.constant 0 : index
    %swap3A_548 = vector.load %arg3[%swap3A_546, %swap3A_547] : memref<512x128xf32, #tpu.memory_space<vmem>>, vector<8x128xf32>
    tpu.vector_store %arg3[%swap3A_546, %swap3A_547], %get3A_545 {strides = array<i32>} : memref<512x128xf32, #tpu.memory_space<vmem>>, vector<8x128xf32>,
    %sub3A_549 = arith.subf %get3A_545, %select_n3A : vector<8x128xf32>
    %roll3A_550 = arith.constant 127 : i32
    %roll3A_551 = tpu.dynamic_rotate %sub3A_549 by %roll3A_550 dim 1 : vector<8x128xf32>, i32 -> vector<8x128xf32>
    %max3A_552 = arith.maximumf %sub3A_549, %roll3A_551 : vector<8x128xf32>
    %min3A_553 = arith.minimumf %min3A_535, %max3A_552 : vector<8x128xf32>
    %gt3A_554 = arith.cmpf ogt, %get3A_545, %select_n3A_537 : vector<8x128xf32>
    %select_n3A_555 = arith.select %gt3A_554, %get3A_545, %select_n3A_537 : vector<8x128xi1>, vector<8x128xf32>
    %add3A_556 = arith.constant 14848 : i32
    %add3A_557 = arith.addi %mul3A_27, %add3A_556 : i32
    %add3A_558 = vector.broadcast %add3A_557 : i32 to vector<8x128xi32>
    %add3A_559 = arith.addi %or3A, %add3A_558 : vector<8x128xi32>
    %select_n3A_560 = arith.select %gt3A_554, %add3A_559, %select_n3A_542 : vector<8x128xi1>, vector<8x128xi32>
    %get3A_561 = arith.constant 240 : index
    %get3A_562 = arith.constant 0 : index
    %get3A_563 = vector.load %arg2[%get3A_561, %get3A_562] : memref<512x128xf32, #tpu.memory_space<vmem>>, vector<8x128xf32>
    %swap3A_564 = arith.constant 240 : index
    %swap3A_565 = arith.constant 0 : index
    %swap3A_566 = vector.load %arg3[%swap3A_564, %swap3A_565] : memref<512x128xf32, #tpu.memory_space<vmem>>, vector<8x128xf32>
    tpu.vector_store %arg3[%swap3A_564, %swap3A_565], %get3A_563 {strides = array<i32>} : memref<512x128xf32, #tpu.memory_space<vmem>>, vector<8x128xf32>,
    %sub3A_567 = arith.subf %get3A_563, %select_n3A : vector<8x128xf32>
    %roll3A_568 = arith.constant 127 : i32
    %roll3A_569 = tpu.dynamic_rotate %sub3A_567 by %roll3A_568 dim 1 : vector<8x128xf32>, i32 -> vector<8x128xf32>
    %max3A_570 = arith.maximumf %sub3A_567, %roll3A_569 : vector<8x128xf32>
    %min3A_571 = arith.minimumf %min3A_553, %max3A_570 : vector<8x128xf32>
    %gt3A_572 = arith.cmpf ogt, %get3A_563, %select_n3A_555 : vector<8x128xf32>
    %select_n3A_573 = arith.select %gt3A_572, %get3A_563, %select_n3A_555 : vector<8x128xi1>, vector<8x128xf32>
    %add3A_574 = arith.constant 15360 : i32
    %add3A_575 = arith.addi %mul3A_27, %add3A_574 : i32
    %add3A_576 = vector.broadcast %add3A_575 : i32 to vector<8x128xi32>
    %add3A_577 = arith.addi %or3A, %add3A_576 : vector<8x128xi32>
    %select_n3A_578 = arith.select %gt3A_572, %add3A_577, %select_n3A_560 : vector<8x128xi1>, vector<8x128xi32>
    %get3A_579 = arith.constant 248 : index
    %get3A_580 = arith.constant 0 : index
    %get3A_581 = vector.load %arg2[%get3A_579, %get3A_580] : memref<512x128xf32, #tpu.memory_space<vmem>>, vector<8x128xf32>
    %swap3A_582 = arith.constant 248 : index
    %swap3A_583 = arith.constant 0 : index
    %swap3A_584 = vector.load %arg3[%swap3A_582, %swap3A_583] : memref<512x128xf32, #tpu.memory_space<vmem>>, vector<8x128xf32>
    tpu.vector_store %arg3[%swap3A_582, %swap3A_583], %get3A_581 {strides = array<i32>} : memref<512x128xf32, #tpu.memory_space<vmem>>, vector<8x128xf32>,
    %sub3A_585 = arith.subf %get3A_581, %select_n3A : vector<8x128xf32>
    %roll3A_586 = arith.constant 127 : i32
    %roll3A_587 = tpu.dynamic_rotate %sub3A_585 by %roll3A_586 dim 1 : vector<8x128xf32>, i32 -> vector<8x128xf32>
    %max3A_588 = arith.maximumf %sub3A_585, %roll3A_587 : vector<8x128xf32>
    %min3A_589 = arith.minimumf %min3A_571, %max3A_588 : vector<8x128xf32>
    %gt3A_590 = arith.cmpf ogt, %get3A_581, %select_n3A_573 : vector<8x128xf32>
    %select_n3A_591 = arith.select %gt3A_590, %get3A_581, %select_n3A_573 : vector<8x128xi1>, vector<8x128xf32>
    %add3A_592 = arith.constant 15872 : i32
    %add3A_593 = arith.addi %mul3A_27, %add3A_592 : i32
    %add3A_594 = vector.broadcast %add3A_593 : i32 to vector<8x128xi32>
    %add3A_595 = arith.addi %or3A, %add3A_594 : vector<8x128xi32>
    %select_n3A_596 = arith.select %gt3A_590, %add3A_595, %select_n3A_578 : vector<8x128xi1>, vector<8x128xi32>
    %get3A_597 = arith.constant 256 : index
    %get3A_598 = arith.constant 0 : index
    %get3A_599 = vector.load %arg2[%get3A_597, %get3A_598] : memref<512x128xf32, #tpu.memory_space<vmem>>, vector<8x128xf32>
    %swap3A_600 = arith.constant 256 : index
    %swap3A_601 = arith.constant 0 : index
    %swap3A_602 = vector.load %arg3[%swap3A_600, %swap3A_601] : memref<512x128xf32, #tpu.memory_space<vmem>>, vector<8x128xf32>
    tpu.vector_store %arg3[%swap3A_600, %swap3A_601], %get3A_599 {strides = array<i32>} : memref<512x128xf32, #tpu.memory_space<vmem>>, vector<8x128xf32>,
    %sub3A_603 = arith.subf %get3A_599, %select_n3A : vector<8x128xf32>
    %roll3A_604 = arith.constant 127 : i32
    %roll3A_605 = tpu.dynamic_rotate %sub3A_603 by %roll3A_604 dim 1 : vector<8x128xf32>, i32 -> vector<8x128xf32>
    %max3A_606 = arith.maximumf %sub3A_603, %roll3A_605 : vector<8x128xf32>
    %min3A_607 = arith.minimumf %min3A_589, %max3A_606 : vector<8x128xf32>
    %gt3A_608 = arith.cmpf ogt, %get3A_599, %select_n3A_591 : vector<8x128xf32>
    %select_n3A_609 = arith.select %gt3A_608, %get3A_599, %select_n3A_591 : vector<8x128xi1>, vector<8x128xf32>
    %add3A_610 = arith.constant 16384 : i32
    %add3A_611 = arith.addi %mul3A_27, %add3A_610 : i32
    %add3A_612 = vector.broadcast %add3A_611 : i32 to vector<8x128xi32>
    %add3A_613 = arith.addi %or3A, %add3A_612 : vector<8x128xi32>
    %select_n3A_614 = arith.select %gt3A_608, %add3A_613, %select_n3A_596 : vector<8x128xi1>, vector<8x128xi32>
    %get3A_615 = arith.constant 264 : index
    %get3A_616 = arith.constant 0 : index
    %get3A_617 = vector.load %arg2[%get3A_615, %get3A_616] : memref<512x128xf32, #tpu.memory_space<vmem>>, vector<8x128xf32>
    %swap3A_618 = arith.constant 264 : index
    %swap3A_619 = arith.constant 0 : index
    %swap3A_620 = vector.load %arg3[%swap3A_618, %swap3A_619] : memref<512x128xf32, #tpu.memory_space<vmem>>, vector<8x128xf32>
    tpu.vector_store %arg3[%swap3A_618, %swap3A_619], %get3A_617 {strides = array<i32>} : memref<512x128xf32, #tpu.memory_space<vmem>>, vector<8x128xf32>,
    %sub3A_621 = arith.subf %get3A_617, %select_n3A : vector<8x128xf32>
    %roll3A_622 = arith.constant 127 : i32
    %roll3A_623 = tpu.dynamic_rotate %sub3A_621 by %roll3A_622 dim 1 : vector<8x128xf32>, i32 -> vector<8x128xf32>
    %max3A_624 = arith.maximumf %sub3A_621, %roll3A_623 : vector<8x128xf32>
    %min3A_625 = arith.minimumf %min3A_607, %max3A_624 : vector<8x128xf32>
    %gt3A_626 = arith.cmpf ogt, %get3A_617, %select_n3A_609 : vector<8x128xf32>
    %select_n3A_627 = arith.select %gt3A_626, %get3A_617, %select_n3A_609 : vector<8x128xi1>, vector<8x128xf32>
    %add3A_628 = arith.constant 16896 : i32
    %add3A_629 = arith.addi %mul3A_27, %add3A_628 : i32
    %add3A_630 = vector.broadcast %add3A_629 : i32 to vector<8x128xi32>
    %add3A_631 = arith.addi %or3A, %add3A_630 : vector<8x128xi32>
    %select_n3A_632 = arith.select %gt3A_626, %add3A_631, %select_n3A_614 : vector<8x128xi1>, vector<8x128xi32>
    %get3A_633 = arith.constant 272 : index
    %get3A_634 = arith.constant 0 : index
    %get3A_635 = vector.load %arg2[%get3A_633, %get3A_634] : memref<512x128xf32, #tpu.memory_space<vmem>>, vector<8x128xf32>
    %swap3A_636 = arith.constant 272 : index
    %swap3A_637 = arith.constant 0 : index
    %swap3A_638 = vector.load %arg3[%swap3A_636, %swap3A_637] : memref<512x128xf32, #tpu.memory_space<vmem>>, vector<8x128xf32>
    tpu.vector_store %arg3[%swap3A_636, %swap3A_637], %get3A_635 {strides = array<i32>} : memref<512x128xf32, #tpu.memory_space<vmem>>, vector<8x128xf32>,
    %sub3A_639 = arith.subf %get3A_635, %select_n3A : vector<8x128xf32>
    %roll3A_640 = arith.constant 127 : i32
    %roll3A_641 = tpu.dynamic_rotate %sub3A_639 by %roll3A_640 dim 1 : vector<8x128xf32>, i32 -> vector<8x128xf32>
    %max3A_642 = arith.maximumf %sub3A_639, %roll3A_641 : vector<8x128xf32>
    %min3A_643 = arith.minimumf %min3A_625, %max3A_642 : vector<8x128xf32>
    %gt3A_644 = arith.cmpf ogt, %get3A_635, %select_n3A_627 : vector<8x128xf32>
    %select_n3A_645 = arith.select %gt3A_644, %get3A_635, %select_n3A_627 : vector<8x128xi1>, vector<8x128xf32>
    %add3A_646 = arith.constant 17408 : i32
    %add3A_647 = arith.addi %mul3A_27, %add3A_646 : i32
    %add3A_648 = vector.broadcast %add3A_647 : i32 to vector<8x128xi32>
    %add3A_649 = arith.addi %or3A, %add3A_648 : vector<8x128xi32>
    %select_n3A_650 = arith.select %gt3A_644, %add3A_649, %select_n3A_632 : vector<8x128xi1>, vector<8x128xi32>
    %get3A_651 = arith.constant 280 : index
    %get3A_652 = arith.constant 0 : index
    %get3A_653 = vector.load %arg2[%get3A_651, %get3A_652] : memref<512x128xf32, #tpu.memory_space<vmem>>, vector<8x128xf32>
    %swap3A_654 = arith.constant 280 : index
    %swap3A_655 = arith.constant 0 : index
    %swap3A_656 = vector.load %arg3[%swap3A_654, %swap3A_655] : memref<512x128xf32, #tpu.memory_space<vmem>>, vector<8x128xf32>
    tpu.vector_store %arg3[%swap3A_654, %swap3A_655], %get3A_653 {strides = array<i32>} : memref<512x128xf32, #tpu.memory_space<vmem>>, vector<8x128xf32>,
    %sub3A_657 = arith.subf %get3A_653, %select_n3A : vector<8x128xf32>
    %roll3A_658 = arith.constant 127 : i32
    %roll3A_659 = tpu.dynamic_rotate %sub3A_657 by %roll3A_658 dim 1 : vector<8x128xf32>, i32 -> vector<8x128xf32>
    %max3A_660 = arith.maximumf %sub3A_657, %roll3A_659 : vector<8x128xf32>
    %min3A_661 = arith.minimumf %min3A_643, %max3A_660 : vector<8x128xf32>
    %gt3A_662 = arith.cmpf ogt, %get3A_653, %select_n3A_645 : vector<8x128xf32>
    %select_n3A_663 = arith.select %gt3A_662, %get3A_653, %select_n3A_645 : vector<8x128xi1>, vector<8x128xf32>
    %add3A_664 = arith.constant 17920 : i32
    %add3A_665 = arith.addi %mul3A_27, %add3A_664 : i32
    %add3A_666 = vector.broadcast %add3A_665 : i32 to vector<8x128xi32>
    %add3A_667 = arith.addi %or3A, %add3A_666 : vector<8x128xi32>
    %select_n3A_668 = arith.select %gt3A_662, %add3A_667, %select_n3A_650 : vector<8x128xi1>, vector<8x128xi32>
    %get3A_669 = arith.constant 288 : index
    %get3A_670 = arith.constant 0 : index
    %get3A_671 = vector.load %arg2[%get3A_669, %get3A_670] : memref<512x128xf32, #tpu.memory_space<vmem>>, vector<8x128xf32>
    %swap3A_672 = arith.constant 288 : index
    %swap3A_673 = arith.constant 0 : index
    %swap3A_674 = vector.load %arg3[%swap3A_672, %swap3A_673] : memref<512x128xf32, #tpu.memory_space<vmem>>, vector<8x128xf32>
    tpu.vector_store %arg3[%swap3A_672, %swap3A_673], %get3A_671 {strides = array<i32>} : memref<512x128xf32, #tpu.memory_space<vmem>>, vector<8x128xf32>,
    %sub3A_675 = arith.subf %get3A_671, %select_n3A : vector<8x128xf32>
    %roll3A_676 = arith.constant 127 : i32
    %roll3A_677 = tpu.dynamic_rotate %sub3A_675 by %roll3A_676 dim 1 : vector<8x128xf32>, i32 -> vector<8x128xf32>
    %max3A_678 = arith.maximumf %sub3A_675, %roll3A_677 : vector<8x128xf32>
    %min3A_679 = arith.minimumf %min3A_661, %max3A_678 : vector<8x128xf32>
    %gt3A_680 = arith.cmpf ogt, %get3A_671, %select_n3A_663 : vector<8x128xf32>
    %select_n3A_681 = arith.select %gt3A_680, %get3A_671, %select_n3A_663 : vector<8x128xi1>, vector<8x128xf32>
    %add3A_682 = arith.constant 18432 : i32
    %add3A_683 = arith.addi %mul3A_27, %add3A_682 : i32
    %add3A_684 = vector.broadcast %add3A_683 : i32 to vector<8x128xi32>
    %add3A_685 = arith.addi %or3A, %add3A_684 : vector<8x128xi32>
    %select_n3A_686 = arith.select %gt3A_680, %add3A_685, %select_n3A_668 : vector<8x128xi1>, vector<8x128xi32>
    %get3A_687 = arith.constant 296 : index
    %get3A_688 = arith.constant 0 : index
    %get3A_689 = vector.load %arg2[%get3A_687, %get3A_688] : memref<512x128xf32, #tpu.memory_space<vmem>>, vector<8x128xf32>
    %swap3A_690 = arith.constant 296 : index
    %swap3A_691 = arith.constant 0 : index
    %swap3A_692 = vector.load %arg3[%swap3A_690, %swap3A_691] : memref<512x128xf32, #tpu.memory_space<vmem>>, vector<8x128xf32>
    tpu.vector_store %arg3[%swap3A_690, %swap3A_691], %get3A_689 {strides = array<i32>} : memref<512x128xf32, #tpu.memory_space<vmem>>, vector<8x128xf32>,
    %sub3A_693 = arith.subf %get3A_689, %select_n3A : vector<8x128xf32>
    %roll3A_694 = arith.constant 127 : i32
    %roll3A_695 = tpu.dynamic_rotate %sub3A_693 by %roll3A_694 dim 1 : vector<8x128xf32>, i32 -> vector<8x128xf32>
    %max3A_696 = arith.maximumf %sub3A_693, %roll3A_695 : vector<8x128xf32>
    %min3A_697 = arith.minimumf %min3A_679, %max3A_696 : vector<8x128xf32>
    %gt3A_698 = arith.cmpf ogt, %get3A_689, %select_n3A_681 : vector<8x128xf32>
    %select_n3A_699 = arith.select %gt3A_698, %get3A_689, %select_n3A_681 : vector<8x128xi1>, vector<8x128xf32>
    %add3A_700 = arith.constant 18944 : i32
    %add3A_701 = arith.addi %mul3A_27, %add3A_700 : i32
    %add3A_702 = vector.broadcast %add3A_701 : i32 to vector<8x128xi32>
    %add3A_703 = arith.addi %or3A, %add3A_702 : vector<8x128xi32>
    %select_n3A_704 = arith.select %gt3A_698, %add3A_703, %select_n3A_686 : vector<8x128xi1>, vector<8x128xi32>
    %get3A_705 = arith.constant 304 : index
    %get3A_706 = arith.constant 0 : index
    %get3A_707 = vector.load %arg2[%get3A_705, %get3A_706] : memref<512x128xf32, #tpu.memory_space<vmem>>, vector<8x128xf32>
    %swap3A_708 = arith.constant 304 : index
    %swap3A_709 = arith.constant 0 : index
    %swap3A_710 = vector.load %arg3[%swap3A_708, %swap3A_709] : memref<512x128xf32, #tpu.memory_space<vmem>>, vector<8x128xf32>
    tpu.vector_store %arg3[%swap3A_708, %swap3A_709], %get3A_707 {strides = array<i32>} : memref<512x128xf32, #tpu.memory_space<vmem>>, vector<8x128xf32>,
    %sub3A_711 = arith.subf %get3A_707, %select_n3A : vector<8x128xf32>
    %roll3A_712 = arith.constant 127 : i32
    %roll3A_713 = tpu.dynamic_rotate %sub3A_711 by %roll3A_712 dim 1 : vector<8x128xf32>, i32 -> vector<8x128xf32>
    %max3A_714 = arith.maximumf %sub3A_711, %roll3A_713 : vector<8x128xf32>
    %min3A_715 = arith.minimumf %min3A_697, %max3A_714 : vector<8x128xf32>
    %gt3A_716 = arith.cmpf ogt, %get3A_707, %select_n3A_699 : vector<8x128xf32>
    %select_n3A_717 = arith.select %gt3A_716, %get3A_707, %select_n3A_699 : vector<8x128xi1>, vector<8x128xf32>
    %add3A_718 = arith.constant 19456 : i32
    %add3A_719 = arith.addi %mul3A_27, %add3A_718 : i32
    %add3A_720 = vector.broadcast %add3A_719 : i32 to vector<8x128xi32>
    %add3A_721 = arith.addi %or3A, %add3A_720 : vector<8x128xi32>
    %select_n3A_722 = arith.select %gt3A_716, %add3A_721, %select_n3A_704 : vector<8x128xi1>, vector<8x128xi32>
    %get3A_723 = arith.constant 312 : index
    %get3A_724 = arith.constant 0 : index
    %get3A_725 = vector.load %arg2[%get3A_723, %get3A_724] : memref<512x128xf32, #tpu.memory_space<vmem>>, vector<8x128xf32>
    %swap3A_726 = arith.constant 312 : index
    %swap3A_727 = arith.constant 0 : index
    %swap3A_728 = vector.load %arg3[%swap3A_726, %swap3A_727] : memref<512x128xf32, #tpu.memory_space<vmem>>, vector<8x128xf32>
    tpu.vector_store %arg3[%swap3A_726, %swap3A_727], %get3A_725 {strides = array<i32>} : memref<512x128xf32, #tpu.memory_space<vmem>>, vector<8x128xf32>,
    %sub3A_729 = arith.subf %get3A_725, %select_n3A : vector<8x128xf32>
    %roll3A_730 = arith.constant 127 : i32
    %roll3A_731 = tpu.dynamic_rotate %sub3A_729 by %roll3A_730 dim 1 : vector<8x128xf32>, i32 -> vector<8x128xf32>
    %max3A_732 = arith.maximumf %sub3A_729, %roll3A_731 : vector<8x128xf32>
    %min3A_733 = arith.minimumf %min3A_715, %max3A_732 : vector<8x128xf32>
    %gt3A_734 = arith.cmpf ogt, %get3A_725, %select_n3A_717 : vector<8x128xf32>
    %select_n3A_735 = arith.select %gt3A_734, %get3A_725, %select_n3A_717 : vector<8x128xi1>, vector<8x128xf32>
    %add3A_736 = arith.constant 19968 : i32
    %add3A_737 = arith.addi %mul3A_27, %add3A_736 : i32
    %add3A_738 = vector.broadcast %add3A_737 : i32 to vector<8x128xi32>
    %add3A_739 = arith.addi %or3A, %add3A_738 : vector<8x128xi32>
    %select_n3A_740 = arith.select %gt3A_734, %add3A_739, %select_n3A_722 : vector<8x128xi1>, vector<8x128xi32>
    %get3A_741 = arith.constant 320 : index
    %get3A_742 = arith.constant 0 : index
    %get3A_743 = vector.load %arg2[%get3A_741, %get3A_742] : memref<512x128xf32, #tpu.memory_space<vmem>>, vector<8x128xf32>
    %swap3A_744 = arith.constant 320 : index
    %swap3A_745 = arith.constant 0 : index
    %swap3A_746 = vector.load %arg3[%swap3A_744, %swap3A_745] : memref<512x128xf32, #tpu.memory_space<vmem>>, vector<8x128xf32>
    tpu.vector_store %arg3[%swap3A_744, %swap3A_745], %get3A_743 {strides = array<i32>} : memref<512x128xf32, #tpu.memory_space<vmem>>, vector<8x128xf32>,
    %sub3A_747 = arith.subf %get3A_743, %select_n3A : vector<8x128xf32>
    %roll3A_748 = arith.constant 127 : i32
    %roll3A_749 = tpu.dynamic_rotate %sub3A_747 by %roll3A_748 dim 1 : vector<8x128xf32>, i32 -> vector<8x128xf32>
    %max3A_750 = arith.maximumf %sub3A_747, %roll3A_749 : vector<8x128xf32>
    %min3A_751 = arith.minimumf %min3A_733, %max3A_750 : vector<8x128xf32>
    %gt3A_752 = arith.cmpf ogt, %get3A_743, %select_n3A_735 : vector<8x128xf32>
    %select_n3A_753 = arith.select %gt3A_752, %get3A_743, %select_n3A_735 : vector<8x128xi1>, vector<8x128xf32>
    %add3A_754 = arith.constant 20480 : i32
    %add3A_755 = arith.addi %mul3A_27, %add3A_754 : i32
    %add3A_756 = vector.broadcast %add3A_755 : i32 to vector<8x128xi32>
    %add3A_757 = arith.addi %or3A, %add3A_756 : vector<8x128xi32>
    %select_n3A_758 = arith.select %gt3A_752, %add3A_757, %select_n3A_740 : vector<8x128xi1>, vector<8x128xi32>
    %get3A_759 = arith.constant 328 : index
    %get3A_760 = arith.constant 0 : index
    %get3A_761 = vector.load %arg2[%get3A_759, %get3A_760] : memref<512x128xf32, #tpu.memory_space<vmem>>, vector<8x128xf32>
    %swap3A_762 = arith.constant 328 : index
    %swap3A_763 = arith.constant 0 : index
    %swap3A_764 = vector.load %arg3[%swap3A_762, %swap3A_763] : memref<512x128xf32, #tpu.memory_space<vmem>>, vector<8x128xf32>
    tpu.vector_store %arg3[%swap3A_762, %swap3A_763], %get3A_761 {strides = array<i32>} : memref<512x128xf32, #tpu.memory_space<vmem>>, vector<8x128xf32>,
    %sub3A_765 = arith.subf %get3A_761, %select_n3A : vector<8x128xf32>
    %roll3A_766 = arith.constant 127 : i32
    %roll3A_767 = tpu.dynamic_rotate %sub3A_765 by %roll3A_766 dim 1 : vector<8x128xf32>, i32 -> vector<8x128xf32>
    %max3A_768 = arith.maximumf %sub3A_765, %roll3A_767 : vector<8x128xf32>
    %min3A_769 = arith.minimumf %min3A_751, %max3A_768 : vector<8x128xf32>
    %gt3A_770 = arith.cmpf ogt, %get3A_761, %select_n3A_753 : vector<8x128xf32>
    %select_n3A_771 = arith.select %gt3A_770, %get3A_761, %select_n3A_753 : vector<8x128xi1>, vector<8x128xf32>
    %add3A_772 = arith.constant 20992 : i32
    %add3A_773 = arith.addi %mul3A_27, %add3A_772 : i32
    %add3A_774 = vector.broadcast %add3A_773 : i32 to vector<8x128xi32>
    %add3A_775 = arith.addi %or3A, %add3A_774 : vector<8x128xi32>
    %select_n3A_776 = arith.select %gt3A_770, %add3A_775, %select_n3A_758 : vector<8x128xi1>, vector<8x128xi32>
    %get3A_777 = arith.constant 336 : index
    %get3A_778 = arith.constant 0 : index
    %get3A_779 = vector.load %arg2[%get3A_777, %get3A_778] : memref<512x128xf32, #tpu.memory_space<vmem>>, vector<8x128xf32>
    %swap3A_780 = arith.constant 336 : index
    %swap3A_781 = arith.constant 0 : index
    %swap3A_782 = vector.load %arg3[%swap3A_780, %swap3A_781] : memref<512x128xf32, #tpu.memory_space<vmem>>, vector<8x128xf32>
    tpu.vector_store %arg3[%swap3A_780, %swap3A_781], %get3A_779 {strides = array<i32>} : memref<512x128xf32, #tpu.memory_space<vmem>>, vector<8x128xf32>,
    %sub3A_783 = arith.subf %get3A_779, %select_n3A : vector<8x128xf32>
    %roll3A_784 = arith.constant 127 : i32
    %roll3A_785 = tpu.dynamic_rotate %sub3A_783 by %roll3A_784 dim 1 : vector<8x128xf32>, i32 -> vector<8x128xf32>
    %max3A_786 = arith.maximumf %sub3A_783, %roll3A_785 : vector<8x128xf32>
    %min3A_787 = arith.minimumf %min3A_769, %max3A_786 : vector<8x128xf32>
    %gt3A_788 = arith.cmpf ogt, %get3A_779, %select_n3A_771 : vector<8x128xf32>
    %select_n3A_789 = arith.select %gt3A_788, %get3A_779, %select_n3A_771 : vector<8x128xi1>, vector<8x128xf32>
    %add3A_790 = arith.constant 21504 : i32
    %add3A_791 = arith.addi %mul3A_27, %add3A_790 : i32
    %add3A_792 = vector.broadcast %add3A_791 : i32 to vector<8x128xi32>
    %add3A_793 = arith.addi %or3A, %add3A_792 : vector<8x128xi32>
    %select_n3A_794 = arith.select %gt3A_788, %add3A_793, %select_n3A_776 : vector<8x128xi1>, vector<8x128xi32>
    %get3A_795 = arith.constant 344 : index
    %get3A_796 = arith.constant 0 : index
    %get3A_797 = vector.load %arg2[%get3A_795, %get3A_796] : memref<512x128xf32, #tpu.memory_space<vmem>>, vector<8x128xf32>
    %swap3A_798 = arith.constant 344 : index
    %swap3A_799 = arith.constant 0 : index
    %swap3A_800 = vector.load %arg3[%swap3A_798, %swap3A_799] : memref<512x128xf32, #tpu.memory_space<vmem>>, vector<8x128xf32>
    tpu.vector_store %arg3[%swap3A_798, %swap3A_799], %get3A_797 {strides = array<i32>} : memref<512x128xf32, #tpu.memory_space<vmem>>, vector<8x128xf32>,
    %sub3A_801 = arith.subf %get3A_797, %select_n3A : vector<8x128xf32>
    %roll3A_802 = arith.constant 127 : i32
    %roll3A_803 = tpu.dynamic_rotate %sub3A_801 by %roll3A_802 dim 1 : vector<8x128xf32>, i32 -> vector<8x128xf32>
    %max3A_804 = arith.maximumf %sub3A_801, %roll3A_803 : vector<8x128xf32>
    %min3A_805 = arith.minimumf %min3A_787, %max3A_804 : vector<8x128xf32>
    %gt3A_806 = arith.cmpf ogt, %get3A_797, %select_n3A_789 : vector<8x128xf32>
    %select_n3A_807 = arith.select %gt3A_806, %get3A_797, %select_n3A_789 : vector<8x128xi1>, vector<8x128xf32>
    %add3A_808 = arith.constant 22016 : i32
    %add3A_809 = arith.addi %mul3A_27, %add3A_808 : i32
    %add3A_810 = vector.broadcast %add3A_809 : i32 to vector<8x128xi32>
    %add3A_811 = arith.addi %or3A, %add3A_810 : vector<8x128xi32>
    %select_n3A_812 = arith.select %gt3A_806, %add3A_811, %select_n3A_794 : vector<8x128xi1>, vector<8x128xi32>
    %get3A_813 = arith.constant 352 : index
    %get3A_814 = arith.constant 0 : index
    %get3A_815 = vector.load %arg2[%get3A_813, %get3A_814] : memref<512x128xf32, #tpu.memory_space<vmem>>, vector<8x128xf32>
    %swap3A_816 = arith.constant 352 : index
    %swap3A_817 = arith.constant 0 : index
    %swap3A_818 = vector.load %arg3[%swap3A_816, %swap3A_817] : memref<512x128xf32, #tpu.memory_space<vmem>>, vector<8x128xf32>
    tpu.vector_store %arg3[%swap3A_816, %swap3A_817], %get3A_815 {strides = array<i32>} : memref<512x128xf32, #tpu.memory_space<vmem>>, vector<8x128xf32>,
    %sub3A_819 = arith.subf %get3A_815, %select_n3A : vector<8x128xf32>
    %roll3A_820 = arith.constant 127 : i32
    %roll3A_821 = tpu.dynamic_rotate %sub3A_819 by %roll3A_820 dim 1 : vector<8x128xf32>, i32 -> vector<8x128xf32>
    %max3A_822 = arith.maximumf %sub3A_819, %roll3A_821 : vector<8x128xf32>
    %min3A_823 = arith.minimumf %min3A_805, %max3A_822 : vector<8x128xf32>
    %gt3A_824 = arith.cmpf ogt, %get3A_815, %select_n3A_807 : vector<8x128xf32>
    %select_n3A_825 = arith.select %gt3A_824, %get3A_815, %select_n3A_807 : vector<8x128xi1>, vector<8x128xf32>
    %add3A_826 = arith.constant 22528 : i32
    %add3A_827 = arith.addi %mul3A_27, %add3A_826 : i32
    %add3A_828 = vector.broadcast %add3A_827 : i32 to vector<8x128xi32>
    %add3A_829 = arith.addi %or3A, %add3A_828 : vector<8x128xi32>
    %select_n3A_830 = arith.select %gt3A_824, %add3A_829, %select_n3A_812 : vector<8x128xi1>, vector<8x128xi32>
    %get3A_831 = arith.constant 360 : index
    %get3A_832 = arith.constant 0 : index
    %get3A_833 = vector.load %arg2[%get3A_831, %get3A_832] : memref<512x128xf32, #tpu.memory_space<vmem>>, vector<8x128xf32>
    %swap3A_834 = arith.constant 360 : index
    %swap3A_835 = arith.constant 0 : index
    %swap3A_836 = vector.load %arg3[%swap3A_834, %swap3A_835] : memref<512x128xf32, #tpu.memory_space<vmem>>, vector<8x128xf32>
    tpu.vector_store %arg3[%swap3A_834, %swap3A_835], %get3A_833 {strides = array<i32>} : memref<512x128xf32, #tpu.memory_space<vmem>>, vector<8x128xf32>,
    %sub3A_837 = arith.subf %get3A_833, %select_n3A : vector<8x128xf32>
    %roll3A_838 = arith.constant 127 : i32
    %roll3A_839 = tpu.dynamic_rotate %sub3A_837 by %roll3A_838 dim 1 : vector<8x128xf32>, i32 -> vector<8x128xf32>
    %max3A_840 = arith.maximumf %sub3A_837, %roll3A_839 : vector<8x128xf32>
    %min3A_841 = arith.minimumf %min3A_823, %max3A_840 : vector<8x128xf32>
    %gt3A_842 = arith.cmpf ogt, %get3A_833, %select_n3A_825 : vector<8x128xf32>
    %select_n3A_843 = arith.select %gt3A_842, %get3A_833, %select_n3A_825 : vector<8x128xi1>, vector<8x128xf32>
    %add3A_844 = arith.constant 23040 : i32
    %add3A_845 = arith.addi %mul3A_27, %add3A_844 : i32
    %add3A_846 = vector.broadcast %add3A_845 : i32 to vector<8x128xi32>
    %add3A_847 = arith.addi %or3A, %add3A_846 : vector<8x128xi32>
    %select_n3A_848 = arith.select %gt3A_842, %add3A_847, %select_n3A_830 : vector<8x128xi1>, vector<8x128xi32>
    %get3A_849 = arith.constant 368 : index
    %get3A_850 = arith.constant 0 : index
    %get3A_851 = vector.load %arg2[%get3A_849, %get3A_850] : memref<512x128xf32, #tpu.memory_space<vmem>>, vector<8x128xf32>
    %swap3A_852 = arith.constant 368 : index
    %swap3A_853 = arith.constant 0 : index
    %swap3A_854 = vector.load %arg3[%swap3A_852, %swap3A_853] : memref<512x128xf32, #tpu.memory_space<vmem>>, vector<8x128xf32>
    tpu.vector_store %arg3[%swap3A_852, %swap3A_853], %get3A_851 {strides = array<i32>} : memref<512x128xf32, #tpu.memory_space<vmem>>, vector<8x128xf32>,
    %sub3A_855 = arith.subf %get3A_851, %select_n3A : vector<8x128xf32>
    %roll3A_856 = arith.constant 127 : i32
    %roll3A_857 = tpu.dynamic_rotate %sub3A_855 by %roll3A_856 dim 1 : vector<8x128xf32>, i32 -> vector<8x128xf32>
    %max3A_858 = arith.maximumf %sub3A_855, %roll3A_857 : vector<8x128xf32>
    %min3A_859 = arith.minimumf %min3A_841, %max3A_858 : vector<8x128xf32>
    %gt3A_860 = arith.cmpf ogt, %get3A_851, %select_n3A_843 : vector<8x128xf32>
    %select_n3A_861 = arith.select %gt3A_860, %get3A_851, %select_n3A_843 : vector<8x128xi1>, vector<8x128xf32>
    %add3A_862 = arith.constant 23552 : i32
    %add3A_863 = arith.addi %mul3A_27, %add3A_862 : i32
    %add3A_864 = vector.broadcast %add3A_863 : i32 to vector<8x128xi32>
    %add3A_865 = arith.addi %or3A, %add3A_864 : vector<8x128xi32>
    %select_n3A_866 = arith.select %gt3A_860, %add3A_865, %select_n3A_848 : vector<8x128xi1>, vector<8x128xi32>
    %get3A_867 = arith.constant 376 : index
    %get3A_868 = arith.constant 0 : index
    %get3A_869 = vector.load %arg2[%get3A_867, %get3A_868] : memref<512x128xf32, #tpu.memory_space<vmem>>, vector<8x128xf32>
    %swap3A_870 = arith.constant 376 : index
    %swap3A_871 = arith.constant 0 : index
    %swap3A_872 = vector.load %arg3[%swap3A_870, %swap3A_871] : memref<512x128xf32, #tpu.memory_space<vmem>>, vector<8x128xf32>
    tpu.vector_store %arg3[%swap3A_870, %swap3A_871], %get3A_869 {strides = array<i32>} : memref<512x128xf32, #tpu.memory_space<vmem>>, vector<8x128xf32>,
    %sub3A_873 = arith.subf %get3A_869, %select_n3A : vector<8x128xf32>
    %roll3A_874 = arith.constant 127 : i32
    %roll3A_875 = tpu.dynamic_rotate %sub3A_873 by %roll3A_874 dim 1 : vector<8x128xf32>, i32 -> vector<8x128xf32>
    %max3A_876 = arith.maximumf %sub3A_873, %roll3A_875 : vector<8x128xf32>
    %min3A_877 = arith.minimumf %min3A_859, %max3A_876 : vector<8x128xf32>
    %gt3A_878 = arith.cmpf ogt, %get3A_869, %select_n3A_861 : vector<8x128xf32>
    %select_n3A_879 = arith.select %gt3A_878, %get3A_869, %select_n3A_861 : vector<8x128xi1>, vector<8x128xf32>
    %add3A_880 = arith.constant 24064 : i32
    %add3A_881 = arith.addi %mul3A_27, %add3A_880 : i32
    %add3A_882 = vector.broadcast %add3A_881 : i32 to vector<8x128xi32>
    %add3A_883 = arith.addi %or3A, %add3A_882 : vector<8x128xi32>
    %select_n3A_884 = arith.select %gt3A_878, %add3A_883, %select_n3A_866 : vector<8x128xi1>, vector<8x128xi32>
    %get3A_885 = arith.constant 384 : index
    %get3A_886 = arith.constant 0 : index
    %get3A_887 = vector.load %arg2[%get3A_885, %get3A_886] : memref<512x128xf32, #tpu.memory_space<vmem>>, vector<8x128xf32>
    %swap3A_888 = arith.constant 384 : index
    %swap3A_889 = arith.constant 0 : index
    %swap3A_890 = vector.load %arg3[%swap3A_888, %swap3A_889] : memref<512x128xf32, #tpu.memory_space<vmem>>, vector<8x128xf32>
    tpu.vector_store %arg3[%swap3A_888, %swap3A_889], %get3A_887 {strides = array<i32>} : memref<512x128xf32, #tpu.memory_space<vmem>>, vector<8x128xf32>,
    %sub3A_891 = arith.subf %get3A_887, %select_n3A : vector<8x128xf32>
    %roll3A_892 = arith.constant 127 : i32
    %roll3A_893 = tpu.dynamic_rotate %sub3A_891 by %roll3A_892 dim 1 : vector<8x128xf32>, i32 -> vector<8x128xf32>
    %max3A_894 = arith.maximumf %sub3A_891, %roll3A_893 : vector<8x128xf32>
    %min3A_895 = arith.minimumf %min3A_877, %max3A_894 : vector<8x128xf32>
    %gt3A_896 = arith.cmpf ogt, %get3A_887, %select_n3A_879 : vector<8x128xf32>
    %select_n3A_897 = arith.select %gt3A_896, %get3A_887, %select_n3A_879 : vector<8x128xi1>, vector<8x128xf32>
    %add3A_898 = arith.constant 24576 : i32
    %add3A_899 = arith.addi %mul3A_27, %add3A_898 : i32
    %add3A_900 = vector.broadcast %add3A_899 : i32 to vector<8x128xi32>
    %add3A_901 = arith.addi %or3A, %add3A_900 : vector<8x128xi32>
    %select_n3A_902 = arith.select %gt3A_896, %add3A_901, %select_n3A_884 : vector<8x128xi1>, vector<8x128xi32>
    %get3A_903 = arith.constant 392 : index
    %get3A_904 = arith.constant 0 : index
    %get3A_905 = vector.load %arg2[%get3A_903, %get3A_904] : memref<512x128xf32, #tpu.memory_space<vmem>>, vector<8x128xf32>
    %swap3A_906 = arith.constant 392 : index
    %swap3A_907 = arith.constant 0 : index
    %swap3A_908 = vector.load %arg3[%swap3A_906, %swap3A_907] : memref<512x128xf32, #tpu.memory_space<vmem>>, vector<8x128xf32>
    tpu.vector_store %arg3[%swap3A_906, %swap3A_907], %get3A_905 {strides = array<i32>} : memref<512x128xf32, #tpu.memory_space<vmem>>, vector<8x128xf32>,
    %sub3A_909 = arith.subf %get3A_905, %select_n3A : vector<8x128xf32>
    %roll3A_910 = arith.constant 127 : i32
    %roll3A_911 = tpu.dynamic_rotate %sub3A_909 by %roll3A_910 dim 1 : vector<8x128xf32>, i32 -> vector<8x128xf32>
    %max3A_912 = arith.maximumf %sub3A_909, %roll3A_911 : vector<8x128xf32>
    %min3A_913 = arith.minimumf %min3A_895, %max3A_912 : vector<8x128xf32>
    %gt3A_914 = arith.cmpf ogt, %get3A_905, %select_n3A_897 : vector<8x128xf32>
    %select_n3A_915 = arith.select %gt3A_914, %get3A_905, %select_n3A_897 : vector<8x128xi1>, vector<8x128xf32>
    %add3A_916 = arith.constant 25088 : i32
    %add3A_917 = arith.addi %mul3A_27, %add3A_916 : i32
    %add3A_918 = vector.broadcast %add3A_917 : i32 to vector<8x128xi32>
    %add3A_919 = arith.addi %or3A, %add3A_918 : vector<8x128xi32>
    %select_n3A_920 = arith.select %gt3A_914, %add3A_919, %select_n3A_902 : vector<8x128xi1>, vector<8x128xi32>
    %get3A_921 = arith.constant 400 : index
    %get3A_922 = arith.constant 0 : index
    %get3A_923 = vector.load %arg2[%get3A_921, %get3A_922] : memref<512x128xf32, #tpu.memory_space<vmem>>, vector<8x128xf32>
    %swap3A_924 = arith.constant 400 : index
    %swap3A_925 = arith.constant 0 : index
    %swap3A_926 = vector.load %arg3[%swap3A_924, %swap3A_925] : memref<512x128xf32, #tpu.memory_space<vmem>>, vector<8x128xf32>
    tpu.vector_store %arg3[%swap3A_924, %swap3A_925], %get3A_923 {strides = array<i32>} : memref<512x128xf32, #tpu.memory_space<vmem>>, vector<8x128xf32>,
    %sub3A_927 = arith.subf %get3A_923, %select_n3A : vector<8x128xf32>
    %roll3A_928 = arith.constant 127 : i32
    %roll3A_929 = tpu.dynamic_rotate %sub3A_927 by %roll3A_928 dim 1 : vector<8x128xf32>, i32 -> vector<8x128xf32>
    %max3A_930 = arith.maximumf %sub3A_927, %roll3A_929 : vector<8x128xf32>
    %min3A_931 = arith.minimumf %min3A_913, %max3A_930 : vector<8x128xf32>
    %gt3A_932 = arith.cmpf ogt, %get3A_923, %select_n3A_915 : vector<8x128xf32>
    %select_n3A_933 = arith.select %gt3A_932, %get3A_923, %select_n3A_915 : vector<8x128xi1>, vector<8x128xf32>
    %add3A_934 = arith.constant 25600 : i32
    %add3A_935 = arith.addi %mul3A_27, %add3A_934 : i32
    %add3A_936 = vector.broadcast %add3A_935 : i32 to vector<8x128xi32>
    %add3A_937 = arith.addi %or3A, %add3A_936 : vector<8x128xi32>
    %select_n3A_938 = arith.select %gt3A_932, %add3A_937, %select_n3A_920 : vector<8x128xi1>, vector<8x128xi32>
    %get3A_939 = arith.constant 408 : index
    %get3A_940 = arith.constant 0 : index
    %get3A_941 = vector.load %arg2[%get3A_939, %get3A_940] : memref<512x128xf32, #tpu.memory_space<vmem>>, vector<8x128xf32>
    %swap3A_942 = arith.constant 408 : index
    %swap3A_943 = arith.constant 0 : index
    %swap3A_944 = vector.load %arg3[%swap3A_942, %swap3A_943] : memref<512x128xf32, #tpu.memory_space<vmem>>, vector<8x128xf32>
    tpu.vector_store %arg3[%swap3A_942, %swap3A_943], %get3A_941 {strides = array<i32>} : memref<512x128xf32, #tpu.memory_space<vmem>>, vector<8x128xf32>,
    %sub3A_945 = arith.subf %get3A_941, %select_n3A : vector<8x128xf32>
    %roll3A_946 = arith.constant 127 : i32
    %roll3A_947 = tpu.dynamic_rotate %sub3A_945 by %roll3A_946 dim 1 : vector<8x128xf32>, i32 -> vector<8x128xf32>
    %max3A_948 = arith.maximumf %sub3A_945, %roll3A_947 : vector<8x128xf32>
    %min3A_949 = arith.minimumf %min3A_931, %max3A_948 : vector<8x128xf32>
    %gt3A_950 = arith.cmpf ogt, %get3A_941, %select_n3A_933 : vector<8x128xf32>
    %select_n3A_951 = arith.select %gt3A_950, %get3A_941, %select_n3A_933 : vector<8x128xi1>, vector<8x128xf32>
    %add3A_952 = arith.constant 26112 : i32
    %add3A_953 = arith.addi %mul3A_27, %add3A_952 : i32
    %add3A_954 = vector.broadcast %add3A_953 : i32 to vector<8x128xi32>
    %add3A_955 = arith.addi %or3A, %add3A_954 : vector<8x128xi32>
    %select_n3A_956 = arith.select %gt3A_950, %add3A_955, %select_n3A_938 : vector<8x128xi1>, vector<8x128xi32>
    %get3A_957 = arith.constant 416 : index
    %get3A_958 = arith.constant 0 : index
    %get3A_959 = vector.load %arg2[%get3A_957, %get3A_958] : memref<512x128xf32, #tpu.memory_space<vmem>>, vector<8x128xf32>
    %swap3A_960 = arith.constant 416 : index
    %swap3A_961 = arith.constant 0 : index
    %swap3A_962 = vector.load %arg3[%swap3A_960, %swap3A_961] : memref<512x128xf32, #tpu.memory_space<vmem>>, vector<8x128xf32>
    tpu.vector_store %arg3[%swap3A_960, %swap3A_961], %get3A_959 {strides = array<i32>} : memref<512x128xf32, #tpu.memory_space<vmem>>, vector<8x128xf32>,
    %sub3A_963 = arith.subf %get3A_959, %select_n3A : vector<8x128xf32>
    %roll3A_964 = arith.constant 127 : i32
    %roll3A_965 = tpu.dynamic_rotate %sub3A_963 by %roll3A_964 dim 1 : vector<8x128xf32>, i32 -> vector<8x128xf32>
    %max3A_966 = arith.maximumf %sub3A_963, %roll3A_965 : vector<8x128xf32>
    %min3A_967 = arith.minimumf %min3A_949, %max3A_966 : vector<8x128xf32>
    %gt3A_968 = arith.cmpf ogt, %get3A_959, %select_n3A_951 : vector<8x128xf32>
    %select_n3A_969 = arith.select %gt3A_968, %get3A_959, %select_n3A_951 : vector<8x128xi1>, vector<8x128xf32>
    %add3A_970 = arith.constant 26624 : i32
    %add3A_971 = arith.addi %mul3A_27, %add3A_970 : i32
    %add3A_972 = vector.broadcast %add3A_971 : i32 to vector<8x128xi32>
    %add3A_973 = arith.addi %or3A, %add3A_972 : vector<8x128xi32>
    %select_n3A_974 = arith.select %gt3A_968, %add3A_973, %select_n3A_956 : vector<8x128xi1>, vector<8x128xi32>
    %get3A_975 = arith.constant 424 : index
    %get3A_976 = arith.constant 0 : index
    %get3A_977 = vector.load %arg2[%get3A_975, %get3A_976] : memref<512x128xf32, #tpu.memory_space<vmem>>, vector<8x128xf32>
    %swap3A_978 = arith.constant 424 : index
    %swap3A_979 = arith.constant 0 : index
    %swap3A_980 = vector.load %arg3[%swap3A_978, %swap3A_979] : memref<512x128xf32, #tpu.memory_space<vmem>>, vector<8x128xf32>
    tpu.vector_store %arg3[%swap3A_978, %swap3A_979], %get3A_977 {strides = array<i32>} : memref<512x128xf32, #tpu.memory_space<vmem>>, vector<8x128xf32>,
    %sub3A_981 = arith.subf %get3A_977, %select_n3A : vector<8x128xf32>
    %roll3A_982 = arith.constant 127 : i32
    %roll3A_983 = tpu.dynamic_rotate %sub3A_981 by %roll3A_982 dim 1 : vector<8x128xf32>, i32 -> vector<8x128xf32>
    %max3A_984 = arith.maximumf %sub3A_981, %roll3A_983 : vector<8x128xf32>
    %min3A_985 = arith.minimumf %min3A_967, %max3A_984 : vector<8x128xf32>
    %gt3A_986 = arith.cmpf ogt, %get3A_977, %select_n3A_969 : vector<8x128xf32>
    %select_n3A_987 = arith.select %gt3A_986, %get3A_977, %select_n3A_969 : vector<8x128xi1>, vector<8x128xf32>
    %add3A_988 = arith.constant 27136 : i32
    %add3A_989 = arith.addi %mul3A_27, %add3A_988 : i32
    %add3A_990 = vector.broadcast %add3A_989 : i32 to vector<8x128xi32>
    %add3A_991 = arith.addi %or3A, %add3A_990 : vector<8x128xi32>
    %select_n3A_992 = arith.select %gt3A_986, %add3A_991, %select_n3A_974 : vector<8x128xi1>, vector<8x128xi32>
    %get3A_993 = arith.constant 432 : index
    %get3A_994 = arith.constant 0 : index
    %get3A_995 = vector.load %arg2[%get3A_993, %get3A_994] : memref<512x128xf32, #tpu.memory_space<vmem>>, vector<8x128xf32>
    %swap3A_996 = arith.constant 432 : index
    %swap3A_997 = arith.constant 0 : index
    %swap3A_998 = vector.load %arg3[%swap3A_996, %swap3A_997] : memref<512x128xf32, #tpu.memory_space<vmem>>, vector<8x128xf32>
    tpu.vector_store %arg3[%swap3A_996, %swap3A_997], %get3A_995 {strides = array<i32>} : memref<512x128xf32, #tpu.memory_space<vmem>>, vector<8x128xf32>,
    %sub3A_999 = arith.subf %get3A_995, %select_n3A : vector<8x128xf32>
    %roll3A_1000 = arith.constant 127 : i32
    %roll3A_1001 = tpu.dynamic_rotate %sub3A_999 by %roll3A_1000 dim 1 : vector<8x128xf32>, i32 -> vector<8x128xf32>
    %max3A_1002 = arith.maximumf %sub3A_999, %roll3A_1001 : vector<8x128xf32>
    %min3A_1003 = arith.minimumf %min3A_985, %max3A_1002 : vector<8x128xf32>
    %gt3A_1004 = arith.cmpf ogt, %get3A_995, %select_n3A_987 : vector<8x128xf32>
    %select_n3A_1005 = arith.select %gt3A_1004, %get3A_995, %select_n3A_987 : vector<8x128xi1>, vector<8x128xf32>
    %add3A_1006 = arith.constant 27648 : i32
    %add3A_1007 = arith.addi %mul3A_27, %add3A_1006 : i32
    %add3A_1008 = vector.broadcast %add3A_1007 : i32 to vector<8x128xi32>
    %add3A_1009 = arith.addi %or3A, %add3A_1008 : vector<8x128xi32>
    %select_n3A_1010 = arith.select %gt3A_1004, %add3A_1009, %select_n3A_992 : vector<8x128xi1>, vector<8x128xi32>
    %get3A_1011 = arith.constant 440 : index
    %get3A_1012 = arith.constant 0 : index
    %get3A_1013 = vector.load %arg2[%get3A_1011, %get3A_1012] : memref<512x128xf32, #tpu.memory_space<vmem>>, vector<8x128xf32>
    %swap3A_1014 = arith.constant 440 : index
    %swap3A_1015 = arith.constant 0 : index
    %swap3A_1016 = vector.load %arg3[%swap3A_1014, %swap3A_1015] : memref<512x128xf32, #tpu.memory_space<vmem>>, vector<8x128xf32>
    tpu.vector_store %arg3[%swap3A_1014, %swap3A_1015], %get3A_1013 {strides = array<i32>} : memref<512x128xf32, #tpu.memory_space<vmem>>, vector<8x128xf32>,
    %sub3A_1017 = arith.subf %get3A_1013, %select_n3A : vector<8x128xf32>
    %roll3A_1018 = arith.constant 127 : i32
    %roll3A_1019 = tpu.dynamic_rotate %sub3A_1017 by %roll3A_1018 dim 1 : vector<8x128xf32>, i32 -> vector<8x128xf32>
    %max3A_1020 = arith.maximumf %sub3A_1017, %roll3A_1019 : vector<8x128xf32>
    %min3A_1021 = arith.minimumf %min3A_1003, %max3A_1020 : vector<8x128xf32>
    %gt3A_1022 = arith.cmpf ogt, %get3A_1013, %select_n3A_1005 : vector<8x128xf32>
    %select_n3A_1023 = arith.select %gt3A_1022, %get3A_1013, %select_n3A_1005 : vector<8x128xi1>, vector<8x128xf32>
    %add3A_1024 = arith.constant 28160 : i32
    %add3A_1025 = arith.addi %mul3A_27, %add3A_1024 : i32
    %add3A_1026 = vector.broadcast %add3A_1025 : i32 to vector<8x128xi32>
    %add3A_1027 = arith.addi %or3A, %add3A_1026 : vector<8x128xi32>
    %select_n3A_1028 = arith.select %gt3A_1022, %add3A_1027, %select_n3A_1010 : vector<8x128xi1>, vector<8x128xi32>
    %get3A_1029 = arith.constant 448 : index
    %get3A_1030 = arith.constant 0 : index
    %get3A_1031 = vector.load %arg2[%get3A_1029, %get3A_1030] : memref<512x128xf32, #tpu.memory_space<vmem>>, vector<8x128xf32>
    %swap3A_1032 = arith.constant 448 : index
    %swap3A_1033 = arith.constant 0 : index
    %swap3A_1034 = vector.load %arg3[%swap3A_1032, %swap3A_1033] : memref<512x128xf32, #tpu.memory_space<vmem>>, vector<8x128xf32>
    tpu.vector_store %arg3[%swap3A_1032, %swap3A_1033], %get3A_1031 {strides = array<i32>} : memref<512x128xf32, #tpu.memory_space<vmem>>, vector<8x128xf32>,
    %sub3A_1035 = arith.subf %get3A_1031, %select_n3A : vector<8x128xf32>
    %roll3A_1036 = arith.constant 127 : i32
    %roll3A_1037 = tpu.dynamic_rotate %sub3A_1035 by %roll3A_1036 dim 1 : vector<8x128xf32>, i32 -> vector<8x128xf32>
    %max3A_1038 = arith.maximumf %sub3A_1035, %roll3A_1037 : vector<8x128xf32>
    %min3A_1039 = arith.minimumf %min3A_1021, %max3A_1038 : vector<8x128xf32>
    %gt3A_1040 = arith.cmpf ogt, %get3A_1031, %select_n3A_1023 : vector<8x128xf32>
    %select_n3A_1041 = arith.select %gt3A_1040, %get3A_1031, %select_n3A_1023 : vector<8x128xi1>, vector<8x128xf32>
    %add3A_1042 = arith.constant 28672 : i32
    %add3A_1043 = arith.addi %mul3A_27, %add3A_1042 : i32
    %add3A_1044 = vector.broadcast %add3A_1043 : i32 to vector<8x128xi32>
    %add3A_1045 = arith.addi %or3A, %add3A_1044 : vector<8x128xi32>
    %select_n3A_1046 = arith.select %gt3A_1040, %add3A_1045, %select_n3A_1028 : vector<8x128xi1>, vector<8x128xi32>
    %get3A_1047 = arith.constant 456 : index
    %get3A_1048 = arith.constant 0 : index
    %get3A_1049 = vector.load %arg2[%get3A_1047, %get3A_1048] : memref<512x128xf32, #tpu.memory_space<vmem>>, vector<8x128xf32>
    %swap3A_1050 = arith.constant 456 : index
    %swap3A_1051 = arith.constant 0 : index
    %swap3A_1052 = vector.load %arg3[%swap3A_1050, %swap3A_1051] : memref<512x128xf32, #tpu.memory_space<vmem>>, vector<8x128xf32>
    tpu.vector_store %arg3[%swap3A_1050, %swap3A_1051], %get3A_1049 {strides = array<i32>} : memref<512x128xf32, #tpu.memory_space<vmem>>, vector<8x128xf32>,
    %sub3A_1053 = arith.subf %get3A_1049, %select_n3A : vector<8x128xf32>
    %roll3A_1054 = arith.constant 127 : i32
    %roll3A_1055 = tpu.dynamic_rotate %sub3A_1053 by %roll3A_1054 dim 1 : vector<8x128xf32>, i32 -> vector<8x128xf32>
    %max3A_1056 = arith.maximumf %sub3A_1053, %roll3A_1055 : vector<8x128xf32>
    %min3A_1057 = arith.minimumf %min3A_1039, %max3A_1056 : vector<8x128xf32>
    %gt3A_1058 = arith.cmpf ogt, %get3A_1049, %select_n3A_1041 : vector<8x128xf32>
    %select_n3A_1059 = arith.select %gt3A_1058, %get3A_1049, %select_n3A_1041 : vector<8x128xi1>, vector<8x128xf32>
    %add3A_1060 = arith.constant 29184 : i32
    %add3A_1061 = arith.addi %mul3A_27, %add3A_1060 : i32
    %add3A_1062 = vector.broadcast %add3A_1061 : i32 to vector<8x128xi32>
    %add3A_1063 = arith.addi %or3A, %add3A_1062 : vector<8x128xi32>
    %select_n3A_1064 = arith.select %gt3A_1058, %add3A_1063, %select_n3A_1046 : vector<8x128xi1>, vector<8x128xi32>
    %get3A_1065 = arith.constant 464 : index
    %get3A_1066 = arith.constant 0 : index
    %get3A_1067 = vector.load %arg2[%get3A_1065, %get3A_1066] : memref<512x128xf32, #tpu.memory_space<vmem>>, vector<8x128xf32>
    %swap3A_1068 = arith.constant 464 : index
    %swap3A_1069 = arith.constant 0 : index
    %swap3A_1070 = vector.load %arg3[%swap3A_1068, %swap3A_1069] : memref<512x128xf32, #tpu.memory_space<vmem>>, vector<8x128xf32>
    tpu.vector_store %arg3[%swap3A_1068, %swap3A_1069], %get3A_1067 {strides = array<i32>} : memref<512x128xf32, #tpu.memory_space<vmem>>, vector<8x128xf32>,
    %sub3A_1071 = arith.subf %get3A_1067, %select_n3A : vector<8x128xf32>
    %roll3A_1072 = arith.constant 127 : i32
    %roll3A_1073 = tpu.dynamic_rotate %sub3A_1071 by %roll3A_1072 dim 1 : vector<8x128xf32>, i32 -> vector<8x128xf32>
    %max3A_1074 = arith.maximumf %sub3A_1071, %roll3A_1073 : vector<8x128xf32>
    %min3A_1075 = arith.minimumf %min3A_1057, %max3A_1074 : vector<8x128xf32>
    %gt3A_1076 = arith.cmpf ogt, %get3A_1067, %select_n3A_1059 : vector<8x128xf32>
    %select_n3A_1077 = arith.select %gt3A_1076, %get3A_1067, %select_n3A_1059 : vector<8x128xi1>, vector<8x128xf32>
    %add3A_1078 = arith.constant 29696 : i32
    %add3A_1079 = arith.addi %mul3A_27, %add3A_1078 : i32
    %add3A_1080 = vector.broadcast %add3A_1079 : i32 to vector<8x128xi32>
    %add3A_1081 = arith.addi %or3A, %add3A_1080 : vector<8x128xi32>
    %select_n3A_1082 = arith.select %gt3A_1076, %add3A_1081, %select_n3A_1064 : vector<8x128xi1>, vector<8x128xi32>
    %get3A_1083 = arith.constant 472 : index
    %get3A_1084 = arith.constant 0 : index
    %get3A_1085 = vector.load %arg2[%get3A_1083, %get3A_1084] : memref<512x128xf32, #tpu.memory_space<vmem>>, vector<8x128xf32>
    %swap3A_1086 = arith.constant 472 : index
    %swap3A_1087 = arith.constant 0 : index
    %swap3A_1088 = vector.load %arg3[%swap3A_1086, %swap3A_1087] : memref<512x128xf32, #tpu.memory_space<vmem>>, vector<8x128xf32>
    tpu.vector_store %arg3[%swap3A_1086, %swap3A_1087], %get3A_1085 {strides = array<i32>} : memref<512x128xf32, #tpu.memory_space<vmem>>, vector<8x128xf32>,
    %sub3A_1089 = arith.subf %get3A_1085, %select_n3A : vector<8x128xf32>
    %roll3A_1090 = arith.constant 127 : i32
    %roll3A_1091 = tpu.dynamic_rotate %sub3A_1089 by %roll3A_1090 dim 1 : vector<8x128xf32>, i32 -> vector<8x128xf32>
    %max3A_1092 = arith.maximumf %sub3A_1089, %roll3A_1091 : vector<8x128xf32>
    %min3A_1093 = arith.minimumf %min3A_1075, %max3A_1092 : vector<8x128xf32>
    %gt3A_1094 = arith.cmpf ogt, %get3A_1085, %select_n3A_1077 : vector<8x128xf32>
    %select_n3A_1095 = arith.select %gt3A_1094, %get3A_1085, %select_n3A_1077 : vector<8x128xi1>, vector<8x128xf32>
    %add3A_1096 = arith.constant 30208 : i32
    %add3A_1097 = arith.addi %mul3A_27, %add3A_1096 : i32
    %add3A_1098 = vector.broadcast %add3A_1097 : i32 to vector<8x128xi32>
    %add3A_1099 = arith.addi %or3A, %add3A_1098 : vector<8x128xi32>
    %select_n3A_1100 = arith.select %gt3A_1094, %add3A_1099, %select_n3A_1082 : vector<8x128xi1>, vector<8x128xi32>
    %get3A_1101 = arith.constant 480 : index
    %get3A_1102 = arith.constant 0 : index
    %get3A_1103 = vector.load %arg2[%get3A_1101, %get3A_1102] : memref<512x128xf32, #tpu.memory_space<vmem>>, vector<8x128xf32>
    %swap3A_1104 = arith.constant 480 : index
    %swap3A_1105 = arith.constant 0 : index
    %swap3A_1106 = vector.load %arg3[%swap3A_1104, %swap3A_1105] : memref<512x128xf32, #tpu.memory_space<vmem>>, vector<8x128xf32>
    tpu.vector_store %arg3[%swap3A_1104, %swap3A_1105], %get3A_1103 {strides = array<i32>} : memref<512x128xf32, #tpu.memory_space<vmem>>, vector<8x128xf32>,
    %sub3A_1107 = arith.subf %get3A_1103, %select_n3A : vector<8x128xf32>
    %roll3A_1108 = arith.constant 127 : i32
    %roll3A_1109 = tpu.dynamic_rotate %sub3A_1107 by %roll3A_1108 dim 1 : vector<8x128xf32>, i32 -> vector<8x128xf32>
    %max3A_1110 = arith.maximumf %sub3A_1107, %roll3A_1109 : vector<8x128xf32>
    %min3A_1111 = arith.minimumf %min3A_1093, %max3A_1110 : vector<8x128xf32>
    %gt3A_1112 = arith.cmpf ogt, %get3A_1103, %select_n3A_1095 : vector<8x128xf32>
    %select_n3A_1113 = arith.select %gt3A_1112, %get3A_1103, %select_n3A_1095 : vector<8x128xi1>, vector<8x128xf32>
    %add3A_1114 = arith.constant 30720 : i32
    %add3A_1115 = arith.addi %mul3A_27, %add3A_1114 : i32
    %add3A_1116 = vector.broadcast %add3A_1115 : i32 to vector<8x128xi32>
    %add3A_1117 = arith.addi %or3A, %add3A_1116 : vector<8x128xi32>
    %select_n3A_1118 = arith.select %gt3A_1112, %add3A_1117, %select_n3A_1100 : vector<8x128xi1>, vector<8x128xi32>
    %get3A_1119 = arith.constant 488 : index
    %get3A_1120 = arith.constant 0 : index
    %get3A_1121 = vector.load %arg2[%get3A_1119, %get3A_1120] : memref<512x128xf32, #tpu.memory_space<vmem>>, vector<8x128xf32>
    %swap3A_1122 = arith.constant 488 : index
    %swap3A_1123 = arith.constant 0 : index
    %swap3A_1124 = vector.load %arg3[%swap3A_1122, %swap3A_1123] : memref<512x128xf32, #tpu.memory_space<vmem>>, vector<8x128xf32>
    tpu.vector_store %arg3[%swap3A_1122, %swap3A_1123], %get3A_1121 {strides = array<i32>} : memref<512x128xf32, #tpu.memory_space<vmem>>, vector<8x128xf32>,
    %sub3A_1125 = arith.subf %get3A_1121, %select_n3A : vector<8x128xf32>
    %roll3A_1126 = arith.constant 127 : i32
    %roll3A_1127 = tpu.dynamic_rotate %sub3A_1125 by %roll3A_1126 dim 1 : vector<8x128xf32>, i32 -> vector<8x128xf32>
    %max3A_1128 = arith.maximumf %sub3A_1125, %roll3A_1127 : vector<8x128xf32>
    %min3A_1129 = arith.minimumf %min3A_1111, %max3A_1128 : vector<8x128xf32>
    %gt3A_1130 = arith.cmpf ogt, %get3A_1121, %select_n3A_1113 : vector<8x128xf32>
    %select_n3A_1131 = arith.select %gt3A_1130, %get3A_1121, %select_n3A_1113 : vector<8x128xi1>, vector<8x128xf32>
    %add3A_1132 = arith.constant 31232 : i32
    %add3A_1133 = arith.addi %mul3A_27, %add3A_1132 : i32
    %add3A_1134 = vector.broadcast %add3A_1133 : i32 to vector<8x128xi32>
    %add3A_1135 = arith.addi %or3A, %add3A_1134 : vector<8x128xi32>
    %select_n3A_1136 = arith.select %gt3A_1130, %add3A_1135, %select_n3A_1118 : vector<8x128xi1>, vector<8x128xi32>
    %get3A_1137 = arith.constant 496 : index
    %get3A_1138 = arith.constant 0 : index
    %get3A_1139 = vector.load %arg2[%get3A_1137, %get3A_1138] : memref<512x128xf32, #tpu.memory_space<vmem>>, vector<8x128xf32>
    %swap3A_1140 = arith.constant 496 : index
    %swap3A_1141 = arith.constant 0 : index
    %swap3A_1142 = vector.load %arg3[%swap3A_1140, %swap3A_1141] : memref<512x128xf32, #tpu.memory_space<vmem>>, vector<8x128xf32>
    tpu.vector_store %arg3[%swap3A_1140, %swap3A_1141], %get3A_1139 {strides = array<i32>} : memref<512x128xf32, #tpu.memory_space<vmem>>, vector<8x128xf32>,
    %sub3A_1143 = arith.subf %get3A_1139, %select_n3A : vector<8x128xf32>
    %roll3A_1144 = arith.constant 127 : i32
    %roll3A_1145 = tpu.dynamic_rotate %sub3A_1143 by %roll3A_1144 dim 1 : vector<8x128xf32>, i32 -> vector<8x128xf32>
    %max3A_1146 = arith.maximumf %sub3A_1143, %roll3A_1145 : vector<8x128xf32>
    %min3A_1147 = arith.minimumf %min3A_1129, %max3A_1146 : vector<8x128xf32>
    %gt3A_1148 = arith.cmpf ogt, %get3A_1139, %select_n3A_1131 : vector<8x128xf32>
    %select_n3A_1149 = arith.select %gt3A_1148, %get3A_1139, %select_n3A_1131 : vector<8x128xi1>, vector<8x128xf32>
    %add3A_1150 = arith.constant 31744 : i32
    %add3A_1151 = arith.addi %mul3A_27, %add3A_1150 : i32
    %add3A_1152 = vector.broadcast %add3A_1151 : i32 to vector<8x128xi32>
    %add3A_1153 = arith.addi %or3A, %add3A_1152 : vector<8x128xi32>
    %select_n3A_1154 = arith.select %gt3A_1148, %add3A_1153, %select_n3A_1136 : vector<8x128xi1>, vector<8x128xi32>
    %get3A_1155 = arith.constant 504 : index
    %get3A_1156 = arith.constant 0 : index
    %get3A_1157 = vector.load %arg2[%get3A_1155, %get3A_1156] : memref<512x128xf32, #tpu.memory_space<vmem>>, vector<8x128xf32>
    %swap3A_1158 = arith.constant 504 : index
    %swap3A_1159 = arith.constant 0 : index
    %swap3A_1160 = vector.load %arg3[%swap3A_1158, %swap3A_1159] : memref<512x128xf32, #tpu.memory_space<vmem>>, vector<8x128xf32>
    tpu.vector_store %arg3[%swap3A_1158, %swap3A_1159], %get3A_1157 {strides = array<i32>} : memref<512x128xf32, #tpu.memory_space<vmem>>, vector<8x128xf32>,
    %sub3A_1161 = arith.subf %get3A_1157, %select_n3A : vector<8x128xf32>
    %roll3A_1162 = arith.constant 127 : i32
    %roll3A_1163 = tpu.dynamic_rotate %sub3A_1161 by %roll3A_1162 dim 1 : vector<8x128xf32>, i32 -> vector<8x128xf32>
    %max3A_1164 = arith.maximumf %sub3A_1161, %roll3A_1163 : vector<8x128xf32>
    %min3A_1165 = arith.minimumf %min3A_1147, %max3A_1164 : vector<8x128xf32>
    %gt3A_1166 = arith.cmpf ogt, %get3A_1157, %select_n3A_1149 : vector<8x128xf32>
    %select_n3A_1167 = arith.select %gt3A_1166, %get3A_1157, %select_n3A_1149 : vector<8x128xi1>, vector<8x128xf32>
    %add3A_1168 = arith.constant 32256 : i32
    %add3A_1169 = arith.addi %mul3A_27, %add3A_1168 : i32
    %add3A_1170 = vector.broadcast %add3A_1169 : i32 to vector<8x128xi32>
    %add3A_1171 = arith.addi %or3A, %add3A_1170 : vector<8x128xi32>
    %select_n3A_1172 = arith.select %gt3A_1166, %add3A_1171, %select_n3A_1154 : vector<8x128xi1>, vector<8x128xi32>
    %swap3A_1173 = arith.constant 0 : index
    %swap3A_1174 = arith.constant 0 : index
    %swap3A_1175 = vector.load %arg5[%swap3A_1173, %swap3A_1174] : memref<8x128xf32, #tpu.memory_space<vmem>>, vector<8x128xf32>
    tpu.vector_store %arg5[%swap3A_1173, %swap3A_1174], %min3A_1165 {strides = array<i32>} : memref<8x128xf32, #tpu.memory_space<vmem>>, vector<8x128xf32>,
    %swap3A_1176 = arith.constant 0 : index
    %swap3A_1177 = arith.constant 0 : index
    %swap3A_1178 = vector.load %arg6[%swap3A_1176, %swap3A_1177] : memref<8x128xf32, #tpu.memory_space<vmem>>, vector<8x128xf32>
    tpu.vector_store %arg6[%swap3A_1176, %swap3A_1177], %select_n3A_1167 {strides = array<i32>} : memref<8x128xf32, #tpu.memory_space<vmem>>, vector<8x128xf32>,
    %swap3A_1179 = arith.constant 0 : index
    %swap3A_1180 = arith.constant 0 : index
    %swap3A_1181 = vector.load %arg7[%swap3A_1179, %swap3A_1180] : memref<8x128xi32, #tpu.memory_space<vmem>>, vector<8x128xi32>
    tpu.vector_store %arg7[%swap3A_1179, %swap3A_1180], %select_n3A_1172 {strides = array<i32>} : memref<8x128xi32, #tpu.memory_space<vmem>>, vector<8x128xi32>,
    %eq3A_1182 = arith.constant 127 : i32
    %eq3A_1183 = arith.cmpi eq, %arg0, %eq3A_1182 : i32
    %convert_element_type3A_1184 = arith.extui %eq3A_1183 : i1 to i32
    %cond3A_1185 = arith.constant 0x7F800000 : f32
    %cond3A_1186 = arith.constant 0xFF800000 : f32
    %cond3A_1187 = arith.constant 0 : i32
    %cond3A_1188 = arith.cmpi ne, %convert_element_type3A_1184, %cond3A_1187 : i32
    scf.if %cond3A_1188 {
      %broadcast_in_dim3A_1189 = vector.broadcast %cond3A_1185 : f32 to vector<8x128xf32>
      %select_n3A_1190 = arith.select %eq3A_4, %broadcast_in_dim3A_1189, %min3A_1165 : vector<8x128xi1>, vector<8x128xf32>
      %reduce_min3A = vector.shape_cast %select_n3A_1190 : vector<8x128xf32> to vector<1x8x128xf32>
      %reduce_min3A_1191 = arith.constant dense<0x7F800000> : vector<1xf32>
      %reduce_min3A_1192 = vector.multi_reduction <minimumf>, %reduce_min3A, %reduce_min3A_1191 [1, 2] : vector<1x8x128xf32> to vector<1xf32>
      %reduce_min3A_1193 = vector.shape_cast %reduce_min3A_1192 : vector<1xf32> to vector<1x1x1xf32>
      %reduce_min3A_1194 = vector.extract %reduce_min3A_1193[0, 0, 0] : f32 from vector<1x1x1xf32>
      %le3A = arith.constant 0.000000e+00 : f32
      %le3A_1195 = arith.cmpf ole, %reduce_min3A_1194, %le3A : f32
      %jit3A = arith.constant 1 : i32
      %jit3A_1196 = arith.constant 0 : i32
      %select_n3A_1197 = arith.select %le3A_1195, %jit3A, %jit3A_1196 : i32
      %swap3A_1198 = arith.constant 0 : index
      %swap3A_1199 = memref.load %arg4[%swap3A_1198] : memref<2xi32, #tpu.memory_space<smem>>
      memref.store %select_n3A_1197, %arg4[%swap3A_1198] : memref<2xi32, #tpu.memory_space<smem>>
      %broadcast_in_dim3A_1200 = vector.broadcast %cond3A_1186 : f32 to vector<8x128xf32>
      %select_n3A_1201 = arith.select %eq3A_4, %broadcast_in_dim3A_1200, %select_n3A_1167 : vector<8x128xi1>, vector<8x128xf32>
      %broadcast_in_dim3A_1202 = vector.broadcast %cond3A_1186 : f32 to vector<8x128xf32>
      %select_n3A_1203 = arith.select %eq3A_4, %select_n3A_1167, %broadcast_in_dim3A_1202 : vector<8x128xi1>, vector<8x128xf32>
      %reduce_max3A = vector.shape_cast %select_n3A_1201 : vector<8x128xf32> to vector<1x8x128xf32>
      %reduce_max3A_1204 = arith.constant dense<0xFF800000> : vector<1xf32>
      %reduce_max3A_1205 = vector.multi_reduction <maximumf>, %reduce_max3A, %reduce_max3A_1204 [1, 2] : vector<1x8x128xf32> to vector<1xf32>
      %reduce_max3A_1206 = vector.shape_cast %reduce_max3A_1205 : vector<1xf32> to vector<1x1x1xf32>
      %reduce_max3A_1207 = vector.extract %reduce_max3A_1206[0, 0, 0] : f32 from vector<1x1x1xf32>
      %reduce_max3A_1208 = vector.shape_cast %select_n3A_1203 : vector<8x128xf32> to vector<1x8x128xf32>
      %reduce_max3A_1209 = arith.constant dense<0xFF800000> : vector<1xf32>
      %reduce_max3A_1210 = vector.multi_reduction <maximumf>, %reduce_max3A_1208, %reduce_max3A_1209 [1, 2] : vector<1x8x128xf32> to vector<1xf32>
      %reduce_max3A_1211 = vector.shape_cast %reduce_max3A_1210 : vector<1xf32> to vector<1x1x1xf32>
      %reduce_max3A_1212 = vector.extract %reduce_max3A_1211[0, 0, 0] : f32 from vector<1x1x1xf32>
      %eq3A_1213 = vector.broadcast %reduce_max3A_1207 : f32 to vector<8x128xf32>
      %eq3A_1214 = arith.cmpf oeq, %select_n3A_1201, %eq3A_1213 : vector<8x128xf32>
      %jit3A_1215 = arith.constant 2147483647 : i32
      %broadcast_in_dim3A_1216 = vector.broadcast %jit3A_1215 : i32 to vector<8x128xi32>
      %select_n3A_1217 = arith.select %eq3A_1214, %select_n3A_1172, %broadcast_in_dim3A_1216 : vector<8x128xi1>, vector<8x128xi32>
      %reduce_min3A_1218 = vector.shape_cast %select_n3A_1217 : vector<8x128xi32> to vector<1x8x128xi32>
      %reduce_min3A_1219 = arith.constant dense<2147483647> : vector<1xi32>
      %reduce_min3A_1220 = vector.multi_reduction <minsi>, %reduce_min3A_1218, %reduce_min3A_1219 [1, 2] : vector<1x8x128xi32> to vector<1xi32>
      %reduce_min3A_1221 = vector.shape_cast %reduce_min3A_1220 : vector<1xi32> to vector<1x1x1xi32>
      %reduce_min3A_1222 = vector.extract %reduce_min3A_1221[0, 0, 0] : i32 from vector<1x1x1xi32>
      %eq3A_1223 = vector.broadcast %reduce_max3A_1212 : f32 to vector<8x128xf32>
      %eq3A_1224 = arith.cmpf oeq, %select_n3A_1203, %eq3A_1223 : vector<8x128xf32>
      %jit3A_1225 = arith.constant 2147483647 : i32
      %broadcast_in_dim3A_1226 = vector.broadcast %jit3A_1225 : i32 to vector<8x128xi32>
      %select_n3A_1227 = arith.select %eq3A_1224, %select_n3A_1172, %broadcast_in_dim3A_1226 : vector<8x128xi1>, vector<8x128xi32>
      %reduce_min3A_1228 = vector.shape_cast %select_n3A_1227 : vector<8x128xi32> to vector<1x8x128xi32>
      %reduce_min3A_1229 = arith.constant dense<2147483647> : vector<1xi32>
      %reduce_min3A_1230 = vector.multi_reduction <minsi>, %reduce_min3A_1228, %reduce_min3A_1229 [1, 2] : vector<1x8x128xi32> to vector<1xi32>
      %reduce_min3A_1231 = vector.shape_cast %reduce_min3A_1230 : vector<1xi32> to vector<1x1x1xi32>
      %reduce_min3A_1232 = vector.extract %reduce_min3A_1231[0, 0, 0] : i32 from vector<1x1x1xi32>
      %max3A_1233 = arith.maxsi %reduce_min3A_1222, %reduce_min3A_1232 : i32
      %swap3A_1234 = arith.constant 1 : index
      %swap3A_1235 = memref.load %arg4[%swap3A_1234] : memref<2xi32, #tpu.memory_space<smem>>
      memref.store %max3A_1233, %arg4[%swap3A_1234] : memref<2xi32, #tpu.memory_space<smem>>
    } else {
    }
    return
  }
  func.func @transform_0(%arg0: i32) -> i32 {
    %c0_i32 = arith.constant 0 : i32
    %c0_i32_0 = arith.constant 0 : i32
    return %c0_i32 : i32
  }
  func.func @transform_1(%arg0: i32) -> (i32, i32) {
    %c0_i32 = arith.constant 0 : i32
    %c0_i32_0 = arith.constant 0 : i32
    return %arg0, %c0_i32 : i32, i32
  }
  func.func @transform_2(%arg0: i32) -> (i32, i32) {
    %c0_i32 = arith.constant 0 : i32
    %c0_i32_0 = arith.constant 0 : i32
    return %arg0, %c0_i32 : i32, i32
  }
  func.func @transform_3(%arg0: i32) -> i32 {
    %c0_i32 = arith.constant 0 : i32
    %c0_i32_0 = arith.constant 0 : i32
    return %c0_i32 : i32
  }
}

module attributes {stable_mosaic.version = 14 : i64} {
  func.func @_scatter_body(%arg0: i32, %arg1: memref<2xi32, #tpu.memory_space<smem>>, %arg2: memref<8x128xf32, #tpu.memory_space<vmem>>, %arg3: memref<2xf32, #tpu.memory_space<smem>>, %arg4: memref<8x128xf32, #tpu.memory_space<vmem>>) attributes {dimension_semantics = [#tpu.dimension_semantics<arbitrary>], iteration_bounds = array<i64: 1>, scalar_prefetch = 1 : i64, scratch_operands = 0 : i64, tpu.core_type = #tpu.core_type<tc>, window_params = [{transform_indices = @transform_0, window_bounds = array<i64: 8, 128>}, {transform_indices = @transform_1, window_bounds = array<i64: 2>}, {transform_indices = @transform_2, window_bounds = array<i64: 8, 128>}]} {
    %get3A = arith.constant 0 : index
    %get3A_0 = memref.load %arg1[%get3A] : memref<2xi32, #tpu.memory_space<smem>>
    %get3A_1 = arith.constant 1 : index
    %get3A_2 = memref.load %arg1[%get3A_1] : memref<2xi32, #tpu.memory_space<smem>>
    %get3A_3 = arith.constant 0 : index
    %get3A_4 = arith.constant 0 : index
    %get3A_5 = vector.load %arg2[%get3A_3, %get3A_4] : memref<8x128xf32, #tpu.memory_space<vmem>>, vector<8x128xf32>
    %iota3A = tpu.iota {dimensions = array<i32: 1>} : vector<8x128xi32>
    %iota3A_6 = tpu.iota {dimensions = array<i32: 0>} : vector<8x128xi32>
    %jit3A = arith.constant 64 : i32
    %div3A = arith.divsi %get3A_0, %jit3A : i32
    %sign3A = arith.constant 0 : i32
    %sign3A_7 = arith.cmpi sgt, %get3A_0, %sign3A : i32
    %sign3A_8 = arith.extui %sign3A_7 : i1 to i32
    %sign3A_9 = arith.constant 0 : i32
    %sign3A_10 = arith.cmpi slt, %get3A_0, %sign3A_9 : i32
    %sign3A_11 = arith.extui %sign3A_10 : i1 to i32
    %sign3A_12 = arith.subi %sign3A_8, %sign3A_11 : i32
    %sign3A_13 = arith.constant 0 : i32
    %sign3A_14 = arith.cmpi sgt, %jit3A, %sign3A_13 : i32
    %sign3A_15 = arith.extui %sign3A_14 : i1 to i32
    %sign3A_16 = arith.constant 0 : i32
    %sign3A_17 = arith.cmpi slt, %jit3A, %sign3A_16 : i32
    %sign3A_18 = arith.extui %sign3A_17 : i1 to i32
    %sign3A_19 = arith.subi %sign3A_15, %sign3A_18 : i32
    %ne3A = arith.cmpi ne, %sign3A_12, %sign3A_19 : i32
    %rem3A = arith.remsi %get3A_0, %jit3A : i32
    %ne3A_20 = arith.constant 0 : i32
    %ne3A_21 = arith.cmpi ne, %rem3A, %ne3A_20 : i32
    %and3A = arith.andi %ne3A, %ne3A_21 : i1
    %sub3A = arith.constant 1 : i32
    %sub3A_22 = arith.subi %div3A, %sub3A : i32
    %select_n3A = arith.select %and3A, %sub3A_22, %div3A : i32
    %jit3A_23 = arith.constant 8 : i32
    %eq3A = arith.constant 0 : i32
    %eq3A_24 = arith.cmpi eq, %jit3A_23, %eq3A : i32
    %jit3A_25 = arith.constant 1 : i32
    %select_n3A_26 = arith.select %eq3A_24, %jit3A_25, %jit3A_23 : i32
    %rem3A_27 = arith.remsi %select_n3A, %select_n3A_26 : i32
    %ne3A_28 = arith.constant 0 : i32
    %ne3A_29 = arith.cmpi ne, %rem3A_27, %ne3A_28 : i32
    %lt3A = arith.constant 0 : i32
    %lt3A_30 = arith.cmpi slt, %rem3A_27, %lt3A : i32
    %lt3A_31 = arith.constant 0 : i32
    %lt3A_32 = arith.cmpi slt, %select_n3A_26, %lt3A_31 : i32
    %ne3A_33 = arith.xori %lt3A_30, %lt3A_32 : i1
    %and3A_34 = arith.andi %ne3A_33, %ne3A_29 : i1
    %add3A = arith.addi %rem3A_27, %select_n3A_26 : i32
    %select_n3A_35 = arith.select %and3A_34, %add3A, %rem3A_27 : i32
    %jit3A_36 = arith.constant 64 : i32
    %eq3A_37 = arith.constant 0 : i32
    %eq3A_38 = arith.cmpi eq, %jit3A_36, %eq3A_37 : i32
    %jit3A_39 = arith.constant 1 : i32
    %select_n3A_40 = arith.select %eq3A_38, %jit3A_39, %jit3A_36 : i32
    %rem3A_41 = arith.remsi %get3A_0, %select_n3A_40 : i32
    %ne3A_42 = arith.constant 0 : i32
    %ne3A_43 = arith.cmpi ne, %rem3A_41, %ne3A_42 : i32
    %lt3A_44 = arith.constant 0 : i32
    %lt3A_45 = arith.cmpi slt, %rem3A_41, %lt3A_44 : i32
    %lt3A_46 = arith.constant 0 : i32
    %lt3A_47 = arith.cmpi slt, %select_n3A_40, %lt3A_46 : i32
    %ne3A_48 = arith.xori %lt3A_45, %lt3A_47 : i1
    %and3A_49 = arith.andi %ne3A_48, %ne3A_43 : i1
    %add3A_50 = arith.addi %rem3A_41, %select_n3A_40 : i32
    %select_n3A_51 = arith.select %and3A_49, %add3A_50, %rem3A_41 : i32
    %mul3A = arith.constant 2 : i32
    %mul3A_52 = arith.muli %select_n3A_51, %mul3A : i32
    %eq3A_53 = vector.broadcast %select_n3A_35 : i32 to vector<8x128xi32>
    %eq3A_54 = arith.cmpi eq, %iota3A_6, %eq3A_53 : vector<8x128xi32>
    %eq3A_55 = vector.broadcast %mul3A_52 : i32 to vector<8x128xi32>
    %eq3A_56 = arith.cmpi eq, %iota3A, %eq3A_55 : vector<8x128xi32>
    %add3A_57 = arith.constant 1 : i32
    %add3A_58 = arith.addi %mul3A_52, %add3A_57 : i32
    %eq3A_59 = vector.broadcast %add3A_58 : i32 to vector<8x128xi32>
    %eq3A_60 = arith.cmpi eq, %iota3A, %eq3A_59 : vector<8x128xi32>
    %or3A = arith.ori %eq3A_56, %eq3A_60 : vector<8x128xi1>
    %and3A_61 = arith.andi %eq3A_54, %or3A : vector<8x128xi1>
    %ne3A_62 = arith.constant 0 : i32
    %ne3A_63 = arith.cmpi ne, %get3A_2, %ne3A_62 : i32
    %and3A_64 = vector.broadcast %ne3A_63 : i1 to vector<8x128xi1>
    %and3A_65 = arith.andi %and3A_61, %and3A_64 : vector<8x128xi1>
    %eq3A_66 = vector.broadcast %mul3A_52 : i32 to vector<8x128xi32>
    %eq3A_67 = arith.cmpi eq, %iota3A, %eq3A_66 : vector<8x128xi32>
    %get3A_68 = arith.constant 0 : index
    %get3A_69 = memref.load %arg3[%get3A_68] : memref<2xf32, #tpu.memory_space<smem>>
    %get3A_70 = arith.constant 1 : index
    %get3A_71 = memref.load %arg3[%get3A_70] : memref<2xf32, #tpu.memory_space<smem>>
    %broadcast_in_dim3A = vector.broadcast %get3A_69 : f32 to vector<8x128xf32>
    %broadcast_in_dim3A_72 = vector.broadcast %get3A_71 : f32 to vector<8x128xf32>
    %select_n3A_73 = arith.select %eq3A_67, %broadcast_in_dim3A, %broadcast_in_dim3A_72 : vector<8x128xi1>, vector<8x128xf32>
    %select_n3A_74 = arith.select %and3A_65, %select_n3A_73, %get3A_5 : vector<8x128xi1>, vector<8x128xf32>
    %swap3A = arith.constant 0 : index
    %swap3A_75 = arith.constant 0 : index
    %swap3A_76 = vector.load %arg4[%swap3A, %swap3A_75] : memref<8x128xf32, #tpu.memory_space<vmem>>, vector<8x128xf32>
    tpu.vector_store %arg4[%swap3A, %swap3A_75], %select_n3A_74 {strides = array<i32>} : memref<8x128xf32, #tpu.memory_space<vmem>>, vector<8x128xf32>,
    return
  }
  func.func @transform_0(%arg0: i32, %arg1: memref<2xi32, #tpu.memory_space<smem>>) -> (i32, i32) {
    %get3A = arith.constant 0 : index
    %get3A_0 = memref.load %arg1[%get3A] : memref<2xi32, #tpu.memory_space<smem>>
    %jit3A = arith.constant 512 : i32
    %div3A = arith.divsi %get3A_0, %jit3A : i32
    %sign3A = arith.constant 0 : i32
    %sign3A_1 = arith.cmpi sgt, %get3A_0, %sign3A : i32
    %sign3A_2 = arith.extui %sign3A_1 : i1 to i32
    %sign3A_3 = arith.constant 0 : i32
    %sign3A_4 = arith.cmpi slt, %get3A_0, %sign3A_3 : i32
    %sign3A_5 = arith.extui %sign3A_4 : i1 to i32
    %sign3A_6 = arith.subi %sign3A_2, %sign3A_5 : i32
    %sign3A_7 = arith.constant 0 : i32
    %sign3A_8 = arith.cmpi sgt, %jit3A, %sign3A_7 : i32
    %sign3A_9 = arith.extui %sign3A_8 : i1 to i32
    %sign3A_10 = arith.constant 0 : i32
    %sign3A_11 = arith.cmpi slt, %jit3A, %sign3A_10 : i32
    %sign3A_12 = arith.extui %sign3A_11 : i1 to i32
    %sign3A_13 = arith.subi %sign3A_9, %sign3A_12 : i32
    %ne3A = arith.cmpi ne, %sign3A_6, %sign3A_13 : i32
    %rem3A = arith.remsi %get3A_0, %jit3A : i32
    %ne3A_14 = arith.constant 0 : i32
    %ne3A_15 = arith.cmpi ne, %rem3A, %ne3A_14 : i32
    %and3A = arith.andi %ne3A, %ne3A_15 : i1
    %sub3A = arith.constant 1 : i32
    %sub3A_16 = arith.subi %div3A, %sub3A : i32
    %select_n3A = arith.select %and3A, %sub3A_16, %div3A : i32
    %c0_i32 = arith.constant 0 : i32
    %c0_i32_17 = arith.constant 0 : i32
    return %select_n3A, %c0_i32 : i32, i32
  }
  func.func @transform_1(%arg0: i32, %arg1: memref<2xi32, #tpu.memory_space<smem>>) -> i32 {
    %c0_i32 = arith.constant 0 : i32
    %c0_i32_0 = arith.constant 0 : i32
    return %c0_i32 : i32
  }
  func.func @transform_2(%arg0: i32, %arg1: memref<2xi32, #tpu.memory_space<smem>>) -> (i32, i32) {
    %get3A = arith.constant 0 : index
    %get3A_0 = memref.load %arg1[%get3A] : memref<2xi32, #tpu.memory_space<smem>>
    %jit3A = arith.constant 512 : i32
    %div3A = arith.divsi %get3A_0, %jit3A : i32
    %sign3A = arith.constant 0 : i32
    %sign3A_1 = arith.cmpi sgt, %get3A_0, %sign3A : i32
    %sign3A_2 = arith.extui %sign3A_1 : i1 to i32
    %sign3A_3 = arith.constant 0 : i32
    %sign3A_4 = arith.cmpi slt, %get3A_0, %sign3A_3 : i32
    %sign3A_5 = arith.extui %sign3A_4 : i1 to i32
    %sign3A_6 = arith.subi %sign3A_2, %sign3A_5 : i32
    %sign3A_7 = arith.constant 0 : i32
    %sign3A_8 = arith.cmpi sgt, %jit3A, %sign3A_7 : i32
    %sign3A_9 = arith.extui %sign3A_8 : i1 to i32
    %sign3A_10 = arith.constant 0 : i32
    %sign3A_11 = arith.cmpi slt, %jit3A, %sign3A_10 : i32
    %sign3A_12 = arith.extui %sign3A_11 : i1 to i32
    %sign3A_13 = arith.subi %sign3A_9, %sign3A_12 : i32
    %ne3A = arith.cmpi ne, %sign3A_6, %sign3A_13 : i32
    %rem3A = arith.remsi %get3A_0, %jit3A : i32
    %ne3A_14 = arith.constant 0 : i32
    %ne3A_15 = arith.cmpi ne, %rem3A, %ne3A_14 : i32
    %and3A = arith.andi %ne3A, %ne3A_15 : i1
    %sub3A = arith.constant 1 : i32
    %sub3A_16 = arith.subi %div3A, %sub3A : i32
    %select_n3A = arith.select %and3A, %sub3A_16, %div3A : i32
    %c0_i32 = arith.constant 0 : i32
    %c0_i32_17 = arith.constant 0 : i32
    return %select_n3A, %c0_i32 : i32, i32
  }
}

</mosaic_0001>

<sc_bundles>
// kernel: sparse-core-data-format-call.cloned.1.call-start
scs
called_computation_lowered:
.L_overlay_start_0:
0x0: {  	s2 =	sld [smem:$0x3FD9]  }
0x1: {  	s3 =	sld [smem:$0x3FFE];
	_ =	sdelay $0x1  }
0x2: {  	s1 =	srdreg.scid  }
0x3: {  	s0 =	sand.u32 $0x1, s1  }
0x4: {  	s15 =	sshll.u32 s0, $0xA;
	s2 =	sadd.s32 s3, s2  }
0x5: {  	s2 =	sadd.s32 s2, s15  }
0x6: {  	[smem:$0x3FC5] =	sst s2  }
0x7: {  	_ = 	snop  }
0x8: {  	s2 =	sld [smem:$0x3FD0];
	_ =	sdelay $0x2  }
0x9: {  	s16 =	simm.s32 $0xA;
	s4 =	simm.s32 $0x10  }
0xa: {  	[smem:s4], [sflag:s16] =	dma.local [hbm:s2], $0x1  }
0xb: {  	_ =	swait.eq [sflag:s16], $0x1  }
0xc: {  	[sflag:s16] =	ssyncset.done $0x0  }
0xd: {  	[sflag:s16] =	ssyncadd.s32 $0xFFFFFFFF  }
0xe: {  	s17 =	sld [smem:$0x11];
	(tm) =	ssettm $0x1  }
0xf: {  	s18 =	sld [smem:$0x3FFB];
	_ =	sdelay $0x3  }
0x10: {  	_ =	strace s18  }
0x11: {  	s3 =	sld [smem:$0x3FFC];
	_ =	sdelay $0x3  }
0x12: {  	_ =	strace s3  }
0x13: {  	s3 =	sld [smem:$0x3FFD];
	_ =	sdelay $0x3  }
0x14: {  	_ =	strace s3  }
0x15: {  	_ =	strace $0x8FFFFFFF  }
0x16: {  	s19 =	sld [smem:$0x3FDB];
	_ =	sdelay $0x1  }
0x17: {  	s20 =	simm.s32 $_scs_section_size  }
0x18: {  	s5 =	simm.s32 $_size__tile_overlayer_lowered;
	s6 =	simm.s32 $_tile_overlayer_lowered  }
0x19: {  	s23 =	simm.s32 $0x1BFF;
	s22 =	sshll.u32 s6, $0x1;
	s3 =	sadd.s32 s20, s19  }
0x1a: {  	s7 =	simm.s32 $0x0;
	s21 =	sshll.u32 s5, $0x1;
	s5 =	sadd.s32 s22, s3  }
0x1b: {  	[timem:s7], [sflag:s23] =	dma.local [hbm:s5], s21  }
0x1c: {  	_ =	swait.ge [sflag:s23], s21  }
0x1d: {  	s4 =	ssub.s32 $0x0, s21;
	[sflag:s23] =	ssyncset.done $0x0  }
0x1e: {  	[sflag:s23] =	ssyncadd.s32 s4;
	_ =	sdelay $0x1  }
0x1f: {  	s24 =	simm.s32 $0x1B8B  }
0x20: {  	_ =	swait.ge [sflag:s24], $0x1  }
0x21: {  	[sflag:s24] =	ssyncset.done $0x0  }
0x22: {  	s26 =	simm.s32 $0x1B8E;
	s25 =	sld [smem:$0x3FFE];
	[sflag:s24] =	ssyncadd.s32 $0xFFFFFFFF  }
0x23: {  	s27 =	simm.s32 $execute0_lowered;
	[smem:$0x3FD2] =	sst s26  }
0x24: {  	s5 =	sshll.u32 s27, $0x1;
	_ =	strace $0x80000046;
	[dreg:$0x1] =	wrdreg $0xFFFFFFFF  }
0x25: {  	s28 =	simm.s32 $_size_execute0_lowered;
	s3 =	sadd.s32 s3, s5;
	[dreg:$0x0] =	wrdreg $0x0  }
0x26: {  	s5 =	sshll.u32 s28, $0x1;
	[dreg:$0x2] =	wrdreg s3  }
0x27: {  	[dreg:$0x3] =	wrdreg s5  }
0x28: {  	[dreg:$0x4] =	wrdreg $0xC0  }
0x29: {  	_ =	task [dreg:s7], $0x5FFFF  }
0x2a: {  	[dreg:$0x1] =	wrdreg $0xFFFFFFFF  }
0x2b: {  	[dreg:$0x0] =	wrdreg $0x60  }
0x2c: {  	[dreg:$0x2] =	wrdreg s25  }
0x2d: {  	[dreg:$0x3] =	wrdreg s17  }
0x2e: {  	[dreg:$0x4] =	wrdreg $0x9  }
0x2f: {  	_ =	task.clear_ibuf [dreg:s7], $0x5FFFF;
	_ =	strace $0x90000046  }
0x30: {  	s29 =	simm.s32 $0x9;
	_ =	strace $0x80000048  }
0x31: {  	_ =	swait.ge [sflag:s29], $0x1  }
0x32: {  	[sflag:s29] =	ssyncadd.s32 $0xFFFFFFFF  }
0x33: {  	_ =	strace $0x90000048  }
0x34: {  	_ =	sfence  }
0x35: {  	s30 =	sld [smem:$0x0];
	_ =	sdelay $0x2  }
0x36: {  	s31 =	sshll.u32 s1, $0xD;
	s1 =	sshrl.u32 s1, $0x2  }
0x37: {  	s3 =	sand.u32 $0x4000, s31;
	s1 =	sadd.s32 s1, s30  }
0x38: {  	s0 =	sor.u32 s3, s0;
	s1 =	sshll.u32 s1, $0x11  }
0x39: {  	s0 =	sor.u32 s1, s0  }
0x3a: {  	s0 =	sadd.s32 $0x8F2B, s0  }
0x3b: {  	[sflag:s0] =	ssyncadd.remote.s32 $0x1  }
0x3c: {  	_ =	sfence.sel $0xFFFF  }
0x3d: {  	[dreg:$0x0] =	wrdreg $0xFFFFFFFF;
	(pc) =	sbr.abs _section_cstart, $3  }
0x3e: {  	[dreg:$0x1] =	wrdreg $0xFFFFFFFF  }
0x3f: {  	_ =	task.clear_ibuf [dreg:s7], $0x2FFFF;
	_ =	strace $0x9FFFFFFF  }
0x40: {  	(tm) =	ssettm $0x7FFFFFFF  }
0x41: {  	_ =	shalt  }
tec
execute0_lowered:
.L_overlay_start_1:
0x0: {  	(tag) =	ssettag $0x1  }
0x1: {  	s0 =	srdreg.scid  }
0x2: {  	s5 =	rddreg [dreg:$0x0];
	s1 =	sshll.u32 s0, $0x4  }
0x3: {  	s2 =	rddreg [dreg:$0x1];
	s0 =	stileid.u32;
	s1 =	sand.u32 $0x10, s1  }
0x4: {  	s4 =	simm.s32 $0x1;
	s8 =	simm.s32 $0x2;
	s1 =	sor.u32 s0, s1  }
0x5: {  	s12 =	simm.s32 $0x0;
	s9 =	simm.s32 $0x0;
	s3 =	sshll.u32 s1, $0x7  }
0x6: {  	s11 =	simm.s32 $0x0;
	s5 =	sadd.s32 $0x100E00, s5;
	s6 =	ssub.s32 $0x400000, s3  }
.Ltmp0:
0x7: {  	s1 =	rddreg [dreg:$0x2];
	s7 =	sand.u32 $0xF80, s6;
	(pc) =	sbr.rel .LBB1_1-.Ltmp0, $4  }
0x8: {  	_ =	strace $0x80000047;
	p0 =	sne.s32 s7, $0x0;
	s7 =	simm.s32 $0x1  }
0x9: {  	[sflag:s4] =	ssyncpa.u1 $0x0;
	s6 =	sshrl.u32 s6, $0xC;
	s7 =	simm.s32 @!p0 $0x0  }
0xa: {  	s10 =	smov.u32 s3;
	[sflag:s8] =	ssyncpa.u1 $0x0;
	s6 =	sadd.s32 s7, s6  }
0xb: {  	s8 =	simm.s32 $0x800000;
	p0 =	por $0x0, $0x0;
	s7 =	sadd.s32 $0x1, s6  }
.LBB1_4:
0xc: {  	p1 =	sgt.s32 s9, $0x3FFF80;
	s15 =	smov.u32 s9;
	s16 =	sshra.s32 s9, $0x1F  }
0xd: {  	s15 =	simm.s32 @!p1 $0x3FFF80;
	s16 =	sand.u32 s16, s9  }
0xe: {  	s15 =	ssub.s32 s15, s16  }
0xf: {  	s28 =	sand.u32 $0x78, s9;
	s17 =	sshll.u32 s9, $0x1;
	s15 =	sadd.s32 $0xFFC00080, s15  }
0x10: {  	s17 =	sand.u32 $0x7FFF00, s17;
	p1 =	sgt.s32 s15, $0x7F;
	s15 =	sshll.u32 s15, $0x3  }
0x11: {  	s29 =	sand.u32 $0x7, s9;
	s16 =	sor.u32 s28, s17;
	s15 =	ssub.s32 $0x400, s15  }
0x12: {  	s17 =	sshll.u32 s29, $0x12;
	s16 =	sshrl.u32 s16, $0x3;
	s15 =	sshrl.u32 s15, $0x2  }
0x13: {  	[tilespmem:s14+$0x0 ss:$0x81] =	vst.msk $0xffff, v0;
	s31 =	sor.u32 $0x100, s17;
	s30 =	sadd.s32 s2, s16;
	s15 =	simm.s32 @p1 $0x0  }
0x14: {  	[hbm4b:s30+s31] =	stream.strided.scatter [tilespmem:s13], [sflag:$0x2], s15, s8, s31, $0x20;
	[tilespmem:$0x4040] =	vst v63  }
.LBB1_5:
0x15: {  	p1 =	slt.u32 s11, $0x2  }
0x16: {  	p2 =	sgt.s32 @!p1 s12, $0x3FFF80  }
0x17: {  	s13 =	smov.u32 s12;
	s14 =	sshra.s32 @!p1 s12, $0x1F;
	p2 =	por !p2, p1  }
0x18: {  	s12 =	sand.u32 @!p1 s14, s12;
	s13 =	simm.s32 @p2 $0x3FFF80  }
0x19: {  	s12 =	ssub.s32 @!p1 s13, s12  }
0x1a: {  	s12 =	sadd.s32 @!p1 $0xFFC00080, s12  }
0x1b: {  	s13 =	sshll.u32 @!p1 s12, $0x3  }
0x1c: {  	p2 =	sgt.s32 @!p1 s12, $0x7F;
	s12 =	ssub.s32 @!p1 $0x400, s13  }
0x1d: {  	s14 =	sadd.s32 $0x1000, s10;
	p2 =	por !p2, p1;
	s12 =	sshrl.u32 @!p1 s12, $0x2  }
0x1e: {  	s12 =	simm.s32 @!p2 $0x0;
	p2 =	sgt.s32 s14, $0x3FFFFF  }
0x1f: {  	s14 =	smov.u32 @p2 s3;
	p2 =	sne.s32 s11, s7  }
.Ltmp1:
0x20: {  	_ = 	snop;
	(pc) =	sbr.rel @!p2 .LBB1_6-.Ltmp1, $4  }
0x21: {  	s13 =	simm.s32 @!p1 $0x2  }
0x22: {  	p0 =	por !p0, !p0;
	_ =	swait.ge @!p1 [sflag:s13], s12;
	s15 =	ssub.s32 @!p1 $0x0, s12  }
0x23: {  	s12 =	smov.u32 s9;
	s11 =	sadd.s32 $0x1, s11;
	[sflag:s13] =	ssyncset.done @!p1 $0x0  }
0x24: {  	s9 =	smov.u32 s10;
	s10 =	smov.u32 s14;
	[sflag:s13] =	ssyncadd.s32 @!p1 s15  }
.LBB1_1:
0x25: {  	p1 =	sge.u32 s11, s6  }
0x26: {  	s31 =	sadd.s32 $0xFFFFFFFF, s11;
	s13 =	sxor.u32 @!p1 $0xFFFFFFFF, s11;
	s14 =	sshll.u32 @!p1 s10, $0x4  }
0x27: {  	s15 =	simm.s32 @!p1 $0x20;
	s13 =	sshll.u32 @!p1 s13, $0xC;
	s14 =	sand.u32 @!p1 $0x3FFFFF0, s14  }
0x28: {  	s16 =	simm.s32 @!p1 $0x80;
	s13 =	sand.u32 @!p1 $0x1000, s13;
	s14 =	sadd.s32 @!p1 s5, s14  }
0x29: {  	[tilespmem:s13], [sflag:$0x1] =	stream.strided.gather @!p1 [hbm4b:s14+s15], $0x1000, s16, s15, $0x38;
	[tilespmem:$0x4040] =	vst v63  }
0x2a: {  	p1 =	sge.u32 s31, s6  }
.Ltmp2:
0x2b: {  	_ = 	snop;
	(pc) =	sbr.rel @p1 .LBB1_5-.Ltmp2, $1  }
0x2c: {  	_ =	sdelay $0x3  }
0x2d: {  	s13 =	simm.s32 $0x1  }
0x2e: {  	_ =	swait.ge [sflag:s4], $0x1000;
	s13 =	simm.s32 @!p0 $0x0  }
0x2f: {  	[sflag:s4] =	ssyncset.done $0x0;
	s14 =	sshll.u32 s13, $0xC  }
0x30: {  	[sflag:s4] =	ssyncadd.s32 $0xFFFFF000;
	s17 =	sor.u32 $0x10, s14  }
0x31: {  	s13 =	smul.u32 $0x4080, s13;
	v1 =	vld [tilespmem:s17+$0x0]  }
0x32: {  	s30 =	sand.u32 $0x1, s11;
	v0 =	vld [tilespmem:s17+$0xFFFFFFF0]  }
0x33: {  	s14 =	smul.u32 $0x4080, s30;
	s13 =	sshrl.u32 s13, $0x2  }
0x34: {  	s15 =	sor.u32 $0x2000, s13  }
0x35: {  	s31 =	sshrl.u32 s14, $0x2;
	s14 =	sadd.s32 $0x0, s15  }
0x36: {  	s16 =	simm.s32 $0x4;
	s17 =	sadd.s32 $0x20, s17;
	s13 =	sor.u32 $0x2000, s31;
	[tilespmem:s14+$0x810 ss:$0x81] =	vst.msk $0xffff, v1  }
.LBB1_3:
0x37: {  	v1 =	vld [tilespmem:s17+$0x0];
	p1 =	sne.s32 s16, $0x1FC;
	[tilespmem:s14+$0x0 ss:$0x81] =	vst.msk $0xffff, v0;
	s14 =	smov.u32 s16;
	s16 =	sadd.s32 $0x4, s16  }
.Ltmp3:
0x38: {  	v0 =	vld [tilespmem:s17+$0xFFFFFFF0];
	(pc) =	sbr.rel @p1 .LBB1_3-.Ltmp3, $4  }
0x39: {  	_ = 	snop  }
0x3a: {  	s14 =	sshra.s32 s14, $0x2  }
0x3b: {  	s14 =	sadd.s32 s14, s15  }
0x3c: {  	s17 =	sadd.s32 $0x20, s17;
	[tilespmem:s14+$0x810 ss:$0x81] =	vst.msk $0xffff, v1  }
.Ltmp4:
0x3d: {  	_ = 	snop;
	(pc) =	sbr.rel .LBB1_4-.Ltmp4, $1  }
0x3e: {  	_ =	sdelay $0x3  }
.LBB1_6:
0x3f: {  	_ =	sfence.sel $0x180000  }
0x40: {  	s2 =	simm.s32 $0x1;
	[bflag:$0x0] =	sbarrier.arrive $0xFFFF  }
0x41: {  	s31 =	simm.s32 $0x2;
	[sflag:s2] =	ssyncpa.u1 $0x1  }
0x42: {  	[sflag:s31] =	ssyncpa.u1 $0x1  }
0x43: {  	p0 =	sne.s32 s0, $0x0;
	_ =	strace $0x90000047  }
0x44: {  	s0 =	sadd.s32 @!p0 $0x100000, s1;
	[bflag:$0x2] =	sbarrier.arrive $0xFFFF  }
0x45: {  	[sflag:s0] =	ssyncadd.tile.s32 @!p0 $0x1;
	_ =	shalt  }
.Lfunc_end1:
_tile_overlayer_lowered:
.L_overlay_start_2:
0x46: {  	(tag) =	ssettag $0x2  }
0x47: {  	s0 =	rddreg [dreg:$0x0];
	s2 =	stileid.u32  }
0x48: {  	s1 =	rddreg [dreg:$0x1];
	p0 =	sne.s32 s2, $0x0  }
0x49: {  	s3 =	rddreg [dreg:$0x2];
	[bflag:$0x3] =	sbarrier.arrive $0xFFFF;
	s2 =	simm.s32 @!p0 $0x1C01  }
0x4a: {  	[timem:s3], [sflag:s2] =	dma.local @!p0 [hbm:s0], s1  }
0x4b: {  	s0 =	simm.s32 @!p0 $0x1  }
0x4c: {  	_ =	swait.ge @!p0 [sflag:s0], s1  }
0x4d: {  	s1 =	ssub.s32 @!p0 $0x0, s1;
	[sflag:s0] =	ssyncset.done @!p0 $0x0  }
0x4e: {  	[sflag:s0] =	ssyncadd.s32 @!p0 s1  }
0x4f: {  	[bflag:$0x3] =	sbarrier.arrive $0xFFFF  }
0x50: {  	_ =	shalt  }

</sc_bundles>
